<compile_context>
chip_gen: v7x
topology: tpu7x:2x2x1
jax: 0.10.2.dev20260603
libtpu: 0.0.44.dev20260713+nightly
codegen_flags: <defaults>
</compile_context>

<pallas_src>
import functools

import jax
import jax.numpy as jnp
from jax import lax
from jax.experimental import pallas as pl
from jax.experimental.pallas import tpu as pltpu
from jax.experimental.pallas import tpu_sc as plsc

G = 8
NC = 2
NS = 16
CB = 128


CH_NUM = 610
CH_DEN = 1000


def _core_chunks(ch_total):
  ch0 = (ch_total * CH_NUM + CH_DEN - 1) // CH_DEN
  return ch0, ch_total - ch0


def _make_segsum(n_pad, D, ch_total):
  mesh = plsc.VectorSubcoreMesh(
      core_axis_name="c", subcore_axis_name="s", num_cores=NC, num_subcores=NS)
  rows_per_sub = n_pad // NS
  ch0, ch1 = _core_chunks(ch_total)
  ch_max = -(-max(ch0, ch1) // 2) * 2

  @functools.partial(
      pl.kernel,
      out_type=jax.ShapeDtypeStruct((NC, n_pad, D), jnp.float32),
      mesh=mesh,
      scratch_types=[
          pltpu.VMEM((-(-ch_max // 2), CB), jnp.int32),
          pltpu.VMEM((-(-ch_max // 2), CB), jnp.int32),
          pltpu.VMEM((CB, D), jnp.float32),
          pltpu.VMEM((CB, D), jnp.float32),
          pltpu.VMEM_SHARED((n_pad, D), jnp.float32),
          pltpu.SemaphoreType.DMA,
          pltpu.SemaphoreType.DMA,
      ],
  )
  def segsum(x_hbm, zeros_hbm, src_hbm, dst_hbm, out_hbm,
             src_v, dst_v, rows_a, rows_b, acc, gsem, ssem):
    c = lax.axis_index("c")
    s = lax.axis_index("s")
    r0 = s * rows_per_sub
    pltpu.sync_copy(zeros_hbm, acc.at[pl.ds(r0, rows_per_sub)])
    plsc.subcore_barrier()

    half = -(-ch_max // 2)
    n_ch = jnp.where(c == 0, ch0, ch1)
    rows = [rows_a, rows_b]

    for hh in range(2):
      k0 = hh * half
      pltpu.sync_copy(src_hbm.at[c, s, pl.ds(k0, half)], src_v)
      pltpu.sync_copy(dst_hbm.at[c, s, pl.ds(k0, half)], dst_v)
      n_here = jnp.clip(n_ch - k0, 0, half)

      def pair(g, carry, k0=k0):
        descs = []
        scats = []
        for b in range(2):
          k = g * 2 + b
          descs.append(
              pltpu.async_copy(x_hbm.at[src_v.at[k]], rows[b], gsem))
          descs[b].wait()
          scats.append(
              pltpu.async_copy(rows[b], acc.at[dst_v.at[k]], ssem, add=True))
        scats[0].wait()
        scats[1].wait()
        return carry

      lax.fori_loop(0, n_here // 2, pair, 0)

      @pl.when(n_here % 2 == 1)
      def _(k0=k0):
        k = n_here - 1
        pltpu.async_copy(x_hbm.at[src_v.at[k]], rows_a, gsem).wait()
        pltpu.sync_copy(rows_a, acc.at[dst_v.at[k]], add=True)

    plsc.subcore_barrier()
    pltpu.sync_copy(acc.at[pl.ds(r0, rows_per_sub)],
                    out_hbm.at[c, pl.ds(r0, rows_per_sub)])

  return segsum


def _l1_body(p_ref, h_ref, wr_ref, wn_ref, b_ref, o_ref):
  a = p_ref[0] + p_ref[1]
  z = (jnp.dot(h_ref[...], wr_ref[...], preferred_element_type=jnp.float32)
       + jnp.dot(a, wn_ref[...], preferred_element_type=jnp.float32)
       + b_ref[...])
  o_ref[...] = jnp.maximum(z, 0.0)


def _l2_body(p_ref, h1_ref, wr_ref, wn_ref, b_ref, bt_ref,
             h2_ref, sum_ref, cnt_ref):
  i = pl.program_id(0)
  R = h1_ref.shape[0]
  D = h1_ref.shape[1]
  a = p_ref[0] + p_ref[1]
  h2 = (jnp.dot(h1_ref[...], wr_ref[...], preferred_element_type=jnp.float32)
        + jnp.dot(a, wn_ref[...], preferred_element_type=jnp.float32)
        + b_ref[...])
  h2_ref[...] = h2
  gids = lax.broadcasted_iota(jnp.int32, (R, G), 1)
  onehot = (bt_ref[...] == gids).astype(jnp.float32)
  ps = lax.dot_general(onehot, h2, (((0,), (0,)), ((), ())),
                       preferred_element_type=jnp.float32)
  pc = lax.dot_general(onehot, jnp.ones((R, D), jnp.float32),
                       (((0,), (0,)), ((), ())),
                       preferred_element_type=jnp.float32)

  @pl.when(i == 0)
  def _():
    sum_ref[...] = jnp.zeros_like(sum_ref)
    cnt_ref[...] = jnp.zeros_like(cnt_ref)

  sum_ref[...] += ps
  cnt_ref[...] += pc


def _rf_body(h2_ref, bt_ref, sum_ref, cnt_ref, o_ref):
  R = h2_ref.shape[0]
  mean = sum_ref[...] / jnp.maximum(cnt_ref[...], 1.0)
  gids = lax.broadcasted_iota(jnp.int32, (R, G), 1)
  onehot = (bt_ref[...] == gids).astype(jnp.float32)
  o_ref[...] = h2_ref[...] + jnp.dot(onehot, mean,
                                     preferred_element_type=jnp.float32)


def kernel(h, group_idx, batch, W1_root, W1_nbr, b1, W3_root, W3_nbr, b3):
  N, D = h.shape
  E = group_idx.shape[1]
  ch_total = -(-E // (NS * CB))
  ch0, ch1 = _core_chunks(ch_total)
  ch_max = -(-max(ch0, ch1) // 2) * 2
  n_pad = -(-(N + 1) // (NS * 8)) * (NS * 8)
  rows_per_sub = n_pad // NS
  R = 2000
  grid = N // R

  src = group_idx[0]
  dst = group_idx[1]
  def shard(idx):
    idx = jnp.pad(idx, (0, NS * ch_total * CB - E), constant_values=N)
    half0 = idx[:NS * ch0 * CB].reshape(NS, ch0, CB)
    half1 = idx[NS * ch0 * CB:].reshape(NS, ch1, CB)
    half0 = jnp.pad(half0, ((0, 0), (0, ch_max - ch0), (0, 0)),
                    constant_values=N)
    half1 = jnp.pad(half1, ((0, 0), (0, ch_max - ch1), (0, 0)),
                    constant_values=N)
    return jnp.stack([half0, half1])

  src_r = shard(src)
  dst_r = shard(dst)
  h_pad = jnp.pad(h, ((0, n_pad - N), (0, 0)))
  zeros = jnp.zeros((rows_per_sub, D), jnp.float32)
  bt = batch.reshape(N, 1)

  segsum = _make_segsum(n_pad, D, ch_total)

  p1 = segsum(h_pad, zeros, src_r, dst_r)
  h1_pad = pl.pallas_call(
      _l1_body,
      grid=(grid,),
      in_specs=[
          pl.BlockSpec((NC, R, D), lambda i: (0, i, 0)),
          pl.BlockSpec((R, D), lambda i: (i, 0)),
          pl.BlockSpec((D, D), lambda i: (0, 0)),
          pl.BlockSpec((D, D), lambda i: (0, 0)),
          pl.BlockSpec((1, D), lambda i: (0, 0)),
      ],
      out_specs=pl.BlockSpec((R, D), lambda i: (i, 0)),
      out_shape=jax.ShapeDtypeStruct((n_pad, D), jnp.float32),
  )(p1, h, W1_root, W1_nbr, b1.reshape(1, D))

  p2 = segsum(h1_pad, zeros, src_r, dst_r)
  h2, sums, counts = pl.pallas_call(
      _l2_body,
      grid=(grid,),
      in_specs=[
          pl.BlockSpec((NC, R, D), lambda i: (0, i, 0)),
          pl.BlockSpec((R, D), lambda i: (i, 0)),
          pl.BlockSpec((D, D), lambda i: (0, 0)),
          pl.BlockSpec((D, D), lambda i: (0, 0)),
          pl.BlockSpec((1, D), lambda i: (0, 0)),
          pl.BlockSpec((R, 1), lambda i: (i, 0)),
      ],
      out_specs=(
          pl.BlockSpec((R, D), lambda i: (i, 0)),
          pl.BlockSpec((G, D), lambda i: (0, 0)),
          pl.BlockSpec((G, D), lambda i: (0, 0)),
      ),
      out_shape=(
          jax.ShapeDtypeStruct((N, D), jnp.float32),
          jax.ShapeDtypeStruct((G, D), jnp.float32),
          jax.ShapeDtypeStruct((G, D), jnp.float32),
      ),
  )(p2, h1_pad, W3_root, W3_nbr, b3.reshape(1, D), bt)

  out = pl.pallas_call(
      _rf_body,
      grid=(grid,),
      in_specs=[
          pl.BlockSpec((R, D), lambda i: (i, 0)),
          pl.BlockSpec((R, 1), lambda i: (i, 0)),
          pl.BlockSpec((G, D), lambda i: (0, 0)),
          pl.BlockSpec((G, D), lambda i: (0, 0)),
      ],
      out_specs=pl.BlockSpec((R, D), lambda i: (i, 0)),
      out_shape=jax.ShapeDtypeStruct((N, D), jnp.float32),
  )(h2, bt, sums, counts)
  return out

# --- scband reference (transcript-rebuilt; emitter-appended) ---
"""Pipeline reference for scband-refine-net-82566451298874 (READ-ONLY COPY).

The authoritative reference and input builder live on the scoring server;
editing this copy changes nothing except your own understanding.
"""

import jax, jax.numpy as jnp
import numpy as np

N = 10000
E = 320000
D = 128
H = 128
G = 8

def setup_inputs(seed: int = 0) -> dict:
    key = jax.random.key(seed)
    ks = jax.random.split(key, 10)
    h = jax.random.normal(ks[0], (N, D), dtype=jnp.float32)
    group_idx = jax.random.randint(ks[1], (2, E), 0, N, dtype=jnp.int32)
    batch = jnp.sort(jax.random.randint(ks[2], (N,), 0, G, dtype=jnp.int32))
    W1_root = jax.random.normal(ks[3], (D, H), dtype=jnp.float32) * 0.05
    W1_nbr = jax.random.normal(ks[4], (D, H), dtype=jnp.float32) * 0.05
    b1 = jnp.zeros((H,), dtype=jnp.float32)
    W3_root = jax.random.normal(ks[5], (H, H), dtype=jnp.float32) * 0.05
    W3_nbr = jax.random.normal(ks[6], (H, H), dtype=jnp.float32) * 0.05
    b3 = jnp.zeros((H,), dtype=jnp.float32)
    return {"h": h, "group_idx": group_idx, "batch": batch,
            "W1_root": W1_root, "W1_nbr": W1_nbr, "b1": b1,
            "W3_root": W3_root, "W3_nbr": W3_nbr, "b3": b3}

def reference(h, group_idx, batch, W1_root, W1_nbr, b1, W3_root, W3_nbr, b3):
    # GraphConv (PyG-style): out = x @ W_root + scatter_add(x[src] @ W_nbr -> dst) + b
    src = group_idx[0]
    dst = group_idx[1]
    # node_GNN
    msg1 = jax.ops.segment_sum(jnp.take(h, src, axis=0) @ W1_nbr, dst, num_segments=N)
    h1 = jax.nn.relu(h @ W1_root + msg1 + b1)
    # agg_global GraphConv on hidden features
    msg2 = jax.ops.segment_sum(jnp.take(h1, src, axis=0) @ W3_nbr, dst, num_segments=N)
    h2 = h1 @ W3_root + msg2 + b3
    # global (per-graph) mean pooling broadcast back to nodes (refine step)
    counts = jnp.clip(jnp.bincount(batch, length=G), 1).astype(jnp.float32)
    pooled = jax.ops.segment_sum(h2, batch, num_segments=G) / counts[:, None]
    return h2 + jnp.take(pooled, batch, axis=0)

if __name__ == "__main__":
    import jax
    _d = setup_inputs()
    print(jax.jit(kernel)(*tuple(_d.values())))

</pallas_src>

<mosaic_0001>
#map = affine_map<(d0, d1) -> (0, 0)>
#map1 = affine_map<(d0, d1) -> (0, 0, 0, 0)>
#map2 = affine_map<(d0, d1) -> (0, 0, 0)>
module attributes {stable_mosaic.version = 14 : i64} {
  func.func @segsum(%arg0: i32, %arg1: i32, %arg2: memref<10112x128xf32, #tpu.memory_space<hbm>>, %arg3: memref<632x128xf32, #tpu.memory_space<hbm>>, %arg4: memref<2x16x96x128xi32, #tpu.memory_space<hbm>>, %arg5: memref<2x16x96x128xi32, #tpu.memory_space<hbm>>, %arg6: memref<2x10112x128xf32, #tpu.memory_space<hbm>>, %arg7: memref<48x128xi32, #tpu.memory_space<vmem>>, %arg8: memref<48x128xi32, #tpu.memory_space<vmem>>, %arg9: memref<128x128xf32, #tpu.memory_space<vmem>>, %arg10: memref<128x128xf32, #tpu.memory_space<vmem>>, %arg11: memref<10112x128xf32, #tpu.memory_space<vmem_shared>>, %arg12: memref<!tpu.dma_semaphore, #tpu.memory_space<semaphore_mem>>, %arg13: memref<!tpu.dma_semaphore, #tpu.memory_space<semaphore_mem>>) attributes {dimension_semantics = [#tpu.dimension_semantics<core_parallel>, #tpu.dimension_semantics<subcore_parallel>], iteration_bounds = array<i64: 2, 16>, scalar_prefetch = 0 : i64, scratch_operands = 7 : i64, tpu.core_type = #tpu.core_type<sc_vector_subcore>, window_params = [{transform_indices = #map}, {transform_indices = #map}, {transform_indices = #map1}, {transform_indices = #map1}, {transform_indices = #map2}]} {
    %mul3A = arith.constant 632 : i32
    %mul3A_0 = arith.muli %arg1, %mul3A : i32
    "tpu.region"() ({
      %run_scoped3A = tpu.sem_alloc : memref<!tpu.dma_semaphore, #tpu.memory_space<semaphore_mem>>
      %dma_start3A = arith.constant 0 : i32
      %dma_start3A_113 = tpu.memref_slice %arg11[%mul3A_0, %dma_start3A] : memref<10112x128xf32, #tpu.memory_space<vmem_shared>> -> memref<632x128xf32, #tpu.memory_space<vmem_shared>>
      tpu.enqueue_dma source(%arg3 : memref<632x128xf32, #tpu.memory_space<hbm>>) target(%dma_start3A_113 : memref<632x128xf32, #tpu.memory_space<vmem_shared>>) target_semaphore(%run_scoped3A : memref<!tpu.dma_semaphore, #tpu.memory_space<semaphore_mem>>)
      %dma_wait3A = arith.constant 0 : i32
      %dma_wait3A_114 = tpu.memref_slice %arg11[%mul3A_0, %dma_wait3A] : memref<10112x128xf32, #tpu.memory_space<vmem_shared>> -> memref<632x128xf32, #tpu.memory_space<vmem_shared>>
      tpu.wait_dma2 semaphore(%run_scoped3A : memref<!tpu.dma_semaphore, #tpu.memory_space<semaphore_mem>>) src(%arg3 : memref<632x128xf32, #tpu.memory_space<hbm>>) dst(%dma_wait3A_114 : memref<632x128xf32, #tpu.memory_space<vmem_shared>>)
      tpu.yield
    }) : () -> ()
    %barrier3A = arith.constant 0 : index
    tpu.barrier barrier_id(%barrier3A)
    %eq3A = arith.constant 0 : i32
    %eq3A_1 = arith.cmpi eq, %arg0, %eq3A : i32
    %jit3A = arith.constant 96 : i32
    %jit3A_2 = arith.constant 61 : i32
    %select_n3A = arith.select %eq3A_1, %jit3A, %jit3A_2 : i32
    "tpu.region"() ({
      %run_scoped3A = tpu.sem_alloc : memref<!tpu.dma_semaphore, #tpu.memory_space<semaphore_mem>>
      %dma_start3A = arith.constant 0 : i32
      %dma_start3A_113 = arith.constant 0 : i32
      %dma_start3A_114 = tpu.memref_slice %arg4[%arg0, %arg1, %dma_start3A, %dma_start3A_113] : memref<2x16x96x128xi32, #tpu.memory_space<hbm>> -> memref<1x1x48x128xi32, #tpu.memory_space<hbm>>
      %dma_start3A_115 = tpu.memref_squeeze %dma_start3A_114 : memref<1x1x48x128xi32, #tpu.memory_space<hbm>> -> memref<48x128xi32, #tpu.memory_space<hbm>>
      %dma_start3A_116 = arith.constant 0 : i32
      %dma_start3A_117 = arith.constant 0 : i32
      %dma_start3A_118 = tpu.memref_slice %arg4[%arg0, %arg1, %dma_start3A_116, %dma_start3A_117] : memref<2x16x96x128xi32, #tpu.memory_space<hbm>> -> memref<1x1x48x128xi32, #tpu.memory_space<hbm>>
      %dma_start3A_119 = tpu.memref_squeeze %dma_start3A_118 : memref<1x1x48x128xi32, #tpu.memory_space<hbm>> -> memref<48x128xi32, #tpu.memory_space<hbm>>
      tpu.enqueue_dma source(%dma_start3A_119 : memref<48x128xi32, #tpu.memory_space<hbm>>) target(%arg7 : memref<48x128xi32, #tpu.memory_space<vmem>>) target_semaphore(%run_scoped3A : memref<!tpu.dma_semaphore, #tpu.memory_space<semaphore_mem>>)
      %dma_wait3A = arith.constant 0 : i32
      %dma_wait3A_120 = arith.constant 0 : i32
      %dma_wait3A_121 = tpu.memref_slice %arg4[%arg0, %arg1, %dma_wait3A, %dma_wait3A_120] : memref<2x16x96x128xi32, #tpu.memory_space<hbm>> -> memref<1x1x48x128xi32, #tpu.memory_space<hbm>>
      %dma_wait3A_122 = tpu.memref_squeeze %dma_wait3A_121 : memref<1x1x48x128xi32, #tpu.memory_space<hbm>> -> memref<48x128xi32, #tpu.memory_space<hbm>>
      %dma_wait3A_123 = arith.constant 0 : i32
      %dma_wait3A_124 = arith.constant 0 : i32
      %dma_wait3A_125 = tpu.memref_slice %arg4[%arg0, %arg1, %dma_wait3A_123, %dma_wait3A_124] : memref<2x16x96x128xi32, #tpu.memory_space<hbm>> -> memref<1x1x48x128xi32, #tpu.memory_space<hbm>>
      %dma_wait3A_126 = tpu.memref_squeeze %dma_wait3A_125 : memref<1x1x48x128xi32, #tpu.memory_space<hbm>> -> memref<48x128xi32, #tpu.memory_space<hbm>>
      tpu.wait_dma2 semaphore(%run_scoped3A : memref<!tpu.dma_semaphore, #tpu.memory_space<semaphore_mem>>) src(%dma_wait3A_126 : memref<48x128xi32, #tpu.memory_space<hbm>>) dst(%arg7 : memref<48x128xi32, #tpu.memory_space<vmem>>)
      tpu.yield
    }) : () -> ()
    "tpu.region"() ({
      %run_scoped3A = tpu.sem_alloc : memref<!tpu.dma_semaphore, #tpu.memory_space<semaphore_mem>>
      %dma_start3A = arith.constant 0 : i32
      %dma_start3A_113 = arith.constant 0 : i32
      %dma_start3A_114 = tpu.memref_slice %arg5[%arg0, %arg1, %dma_start3A, %dma_start3A_113] : memref<2x16x96x128xi32, #tpu.memory_space<hbm>> -> memref<1x1x48x128xi32, #tpu.memory_space<hbm>>
      %dma_start3A_115 = tpu.memref_squeeze %dma_start3A_114 : memref<1x1x48x128xi32, #tpu.memory_space<hbm>> -> memref<48x128xi32, #tpu.memory_space<hbm>>
      %dma_start3A_116 = arith.constant 0 : i32
      %dma_start3A_117 = arith.constant 0 : i32
      %dma_start3A_118 = tpu.memref_slice %arg5[%arg0, %arg1, %dma_start3A_116, %dma_start3A_117] : memref<2x16x96x128xi32, #tpu.memory_space<hbm>> -> memref<1x1x48x128xi32, #tpu.memory_space<hbm>>
      %dma_start3A_119 = tpu.memref_squeeze %dma_start3A_118 : memref<1x1x48x128xi32, #tpu.memory_space<hbm>> -> memref<48x128xi32, #tpu.memory_space<hbm>>
      tpu.enqueue_dma source(%dma_start3A_119 : memref<48x128xi32, #tpu.memory_space<hbm>>) target(%arg8 : memref<48x128xi32, #tpu.memory_space<vmem>>) target_semaphore(%run_scoped3A : memref<!tpu.dma_semaphore, #tpu.memory_space<semaphore_mem>>)
      %dma_wait3A = arith.constant 0 : i32
      %dma_wait3A_120 = arith.constant 0 : i32
      %dma_wait3A_121 = tpu.memref_slice %arg5[%arg0, %arg1, %dma_wait3A, %dma_wait3A_120] : memref<2x16x96x128xi32, #tpu.memory_space<hbm>> -> memref<1x1x48x128xi32, #tpu.memory_space<hbm>>
      %dma_wait3A_122 = tpu.memref_squeeze %dma_wait3A_121 : memref<1x1x48x128xi32, #tpu.memory_space<hbm>> -> memref<48x128xi32, #tpu.memory_space<hbm>>
      %dma_wait3A_123 = arith.constant 0 : i32
      %dma_wait3A_124 = arith.constant 0 : i32
      %dma_wait3A_125 = tpu.memref_slice %arg5[%arg0, %arg1, %dma_wait3A_123, %dma_wait3A_124] : memref<2x16x96x128xi32, #tpu.memory_space<hbm>> -> memref<1x1x48x128xi32, #tpu.memory_space<hbm>>
      %dma_wait3A_126 = tpu.memref_squeeze %dma_wait3A_125 : memref<1x1x48x128xi32, #tpu.memory_space<hbm>> -> memref<48x128xi32, #tpu.memory_space<hbm>>
      tpu.wait_dma2 semaphore(%run_scoped3A : memref<!tpu.dma_semaphore, #tpu.memory_space<semaphore_mem>>) src(%dma_wait3A_126 : memref<48x128xi32, #tpu.memory_space<hbm>>) dst(%arg8 : memref<48x128xi32, #tpu.memory_space<vmem>>)
      tpu.yield
    }) : () -> ()
    %sub3A = arith.constant 0 : i32
    %sub3A_3 = arith.subi %select_n3A, %sub3A : i32
    %jit3A_4 = arith.constant 0 : i32
    %jit3A_5 = arith.constant 48 : i32
    %max3A = arith.maxsi %jit3A_4, %sub3A_3 : i32
    %min3A = arith.minsi %jit3A_5, %max3A : i32
    %jit3A_6 = arith.constant 2 : i32
    %div3A = arith.divsi %min3A, %jit3A_6 : i32
    %sign3A = arith.constant 0 : i32
    %sign3A_7 = arith.cmpi sgt, %min3A, %sign3A : i32
    %sign3A_8 = arith.extui %sign3A_7 : i1 to i32
    %sign3A_9 = arith.constant 0 : i32
    %sign3A_10 = arith.cmpi slt, %min3A, %sign3A_9 : i32
    %sign3A_11 = arith.extui %sign3A_10 : i1 to i32
    %sign3A_12 = arith.subi %sign3A_8, %sign3A_11 : i32
    %sign3A_13 = arith.constant 0 : i32
    %sign3A_14 = arith.cmpi sgt, %jit3A_6, %sign3A_13 : i32
    %sign3A_15 = arith.extui %sign3A_14 : i1 to i32
    %sign3A_16 = arith.constant 0 : i32
    %sign3A_17 = arith.cmpi slt, %jit3A_6, %sign3A_16 : i32
    %sign3A_18 = arith.extui %sign3A_17 : i1 to i32
    %sign3A_19 = arith.subi %sign3A_15, %sign3A_18 : i32
    %ne3A = arith.cmpi ne, %sign3A_12, %sign3A_19 : i32
    %rem3A = arith.remsi %min3A, %jit3A_6 : i32
    %ne3A_20 = arith.constant 0 : i32
    %ne3A_21 = arith.cmpi ne, %rem3A, %ne3A_20 : i32
    %and3A = arith.andi %ne3A, %ne3A_21 : i1
    %sub3A_22 = arith.constant 1 : i32
    %sub3A_23 = arith.subi %div3A, %sub3A_22 : i32
    %select_n3A_24 = arith.select %and3A, %sub3A_23, %div3A : i32
    %while3A = arith.constant 0 : i32
    %while3A_25 = arith.constant 0 : i32
    %while3A_26 = arith.subi %select_n3A_24, %while3A_25 : i32
    %while3A_27 = arith.addi %while3A_25, %while3A_26 : i32
    %while3A_28 = arith.constant 1 : i32
    %while3A_29 = arith.divsi %while3A_26, %while3A_28 : i32
    %while3A_30 = arith.muli %while3A_29, %while3A_28 : i32
    %while3A_31 = arith.addi %while3A_25, %while3A_30 : i32
    %while3A_32 = arith.constant 1 : i32
    scf.for %while3A_113 = %while3A_25 to %while3A_31 step %while3A_32  : i32 {
      %mul3A_114 = arith.constant 2 : i32
      %mul3A_115 = arith.muli %while3A_113, %mul3A_114 : i32
      %add3A_116 = arith.constant 0 : i32
      %add3A_117 = arith.addi %mul3A_115, %add3A_116 : i32
      %dma_start3A = arith.constant 0 : i32
      %dma_start3A_118 = tpu.memref_slice %arg7[%add3A_117, %dma_start3A] : memref<48x128xi32, #tpu.memory_space<vmem>> -> memref<1x128xi32, #tpu.memory_space<vmem>>
      %dma_start3A_119 = tpu.memref_squeeze %dma_start3A_118 : memref<1x128xi32, #tpu.memory_space<vmem>> -> memref<128xi32, #tpu.memory_space<vmem>>
      %dma_start3A_120 = arith.constant 0 : i32
      %dma_start3A_121 = arith.constant 0 : i32
      %dma_start3A_122 = tpu.memref_slice %arg2[%dma_start3A_120, %dma_start3A_121] : memref<10112x128xf32, #tpu.memory_space<hbm>> -> memref<10112x128xf32, #tpu.memory_space<hbm>>
      tpu.enqueue_indirect_dma source(%dma_start3A_122 : memref<10112x128xf32, #tpu.memory_space<hbm>>) target(%arg9 : memref<128x128xf32, #tpu.memory_space<vmem>>) offsets(%dma_start3A_119 : memref<128xi32, #tpu.memory_space<vmem>>) semaphore(%arg12 : memref<!tpu.dma_semaphore, #tpu.memory_space<semaphore_mem>>)
      %dma_wait3A = arith.constant 0 : i32
      %dma_wait3A_123 = tpu.memref_slice %arg7[%add3A_117, %dma_wait3A] : memref<48x128xi32, #tpu.memory_space<vmem>> -> memref<1x128xi32, #tpu.memory_space<vmem>>
      %dma_wait3A_124 = tpu.memref_squeeze %dma_wait3A_123 : memref<1x128xi32, #tpu.memory_space<vmem>> -> memref<128xi32, #tpu.memory_space<vmem>>
      %dma_wait3A_125 = arith.constant 0 : i32
      %dma_wait3A_126 = arith.constant 0 : i32
      %dma_wait3A_127 = tpu.memref_slice %arg2[%dma_wait3A_125, %dma_wait3A_126] : memref<10112x128xf32, #tpu.memory_space<hbm>> -> memref<10112x128xf32, #tpu.memory_space<hbm>>
      tpu.wait_indirect_dma semaphore(%arg12 : memref<!tpu.dma_semaphore, #tpu.memory_space<semaphore_mem>>) src(%dma_wait3A_127 : memref<10112x128xf32, #tpu.memory_space<hbm>>) dst(%arg9 : memref<128x128xf32, #tpu.memory_space<vmem>>)
      %dma_start3A_128 = arith.constant 0 : i32
      %dma_start3A_129 = tpu.memref_slice %arg8[%add3A_117, %dma_start3A_128] : memref<48x128xi32, #tpu.memory_space<vmem>> -> memref<1x128xi32, #tpu.memory_space<vmem>>
      %dma_start3A_130 = tpu.memref_squeeze %dma_start3A_129 : memref<1x128xi32, #tpu.memory_space<vmem>> -> memref<128xi32, #tpu.memory_space<vmem>>
      %dma_start3A_131 = arith.constant 0 : i32
      %dma_start3A_132 = arith.constant 0 : i32
      %dma_start3A_133 = tpu.memref_slice %arg11[%dma_start3A_131, %dma_start3A_132] : memref<10112x128xf32, #tpu.memory_space<vmem_shared>> -> memref<10112x128xf32, #tpu.memory_space<vmem_shared>>
      tpu.enqueue_indirect_dma source(%arg9 : memref<128x128xf32, #tpu.memory_space<vmem>>) target(%dma_start3A_133 : memref<10112x128xf32, #tpu.memory_space<vmem_shared>>) offsets(%dma_start3A_130 : memref<128xi32, #tpu.memory_space<vmem>>) semaphore(%arg13 : memref<!tpu.dma_semaphore, #tpu.memory_space<semaphore_mem>>) {add = true}
      %mul3A_134 = arith.constant 2 : i32
      %mul3A_135 = arith.muli %while3A_113, %mul3A_134 : i32
      %add3A_136 = arith.constant 1 : i32
      %add3A_137 = arith.addi %mul3A_135, %add3A_136 : i32
      %dma_start3A_138 = arith.constant 0 : i32
      %dma_start3A_139 = tpu.memref_slice %arg7[%add3A_137, %dma_start3A_138] : memref<48x128xi32, #tpu.memory_space<vmem>> -> memref<1x128xi32, #tpu.memory_space<vmem>>
      %dma_start3A_140 = tpu.memref_squeeze %dma_start3A_139 : memref<1x128xi32, #tpu.memory_space<vmem>> -> memref<128xi32, #tpu.memory_space<vmem>>
      %dma_start3A_141 = arith.constant 0 : i32
      %dma_start3A_142 = arith.constant 0 : i32
      %dma_start3A_143 = tpu.memref_slice %arg2[%dma_start3A_141, %dma_start3A_142] : memref<10112x128xf32, #tpu.memory_space<hbm>> -> memref<10112x128xf32, #tpu.memory_space<hbm>>
      tpu.enqueue_indirect_dma source(%dma_start3A_143 : memref<10112x128xf32, #tpu.memory_space<hbm>>) target(%arg10 : memref<128x128xf32, #tpu.memory_space<vmem>>) offsets(%dma_start3A_140 : memref<128xi32, #tpu.memory_space<vmem>>) semaphore(%arg12 : memref<!tpu.dma_semaphore, #tpu.memory_space<semaphore_mem>>)
      %dma_wait3A_144 = arith.constant 0 : i32
      %dma_wait3A_145 = tpu.memref_slice %arg7[%add3A_137, %dma_wait3A_144] : memref<48x128xi32, #tpu.memory_space<vmem>> -> memref<1x128xi32, #tpu.memory_space<vmem>>
      %dma_wait3A_146 = tpu.memref_squeeze %dma_wait3A_145 : memref<1x128xi32, #tpu.memory_space<vmem>> -> memref<128xi32, #tpu.memory_space<vmem>>
      %dma_wait3A_147 = arith.constant 0 : i32
      %dma_wait3A_148 = arith.constant 0 : i32
      %dma_wait3A_149 = tpu.memref_slice %arg2[%dma_wait3A_147, %dma_wait3A_148] : memref<10112x128xf32, #tpu.memory_space<hbm>> -> memref<10112x128xf32, #tpu.memory_space<hbm>>
      tpu.wait_indirect_dma semaphore(%arg12 : memref<!tpu.dma_semaphore, #tpu.memory_space<semaphore_mem>>) src(%dma_wait3A_149 : memref<10112x128xf32, #tpu.memory_space<hbm>>) dst(%arg10 : memref<128x128xf32, #tpu.memory_space<vmem>>)
      %dma_start3A_150 = arith.constant 0 : i32
      %dma_start3A_151 = tpu.memref_slice %arg8[%add3A_137, %dma_start3A_150] : memref<48x128xi32, #tpu.memory_space<vmem>> -> memref<1x128xi32, #tpu.memory_space<vmem>>
      %dma_start3A_152 = tpu.memref_squeeze %dma_start3A_151 : memref<1x128xi32, #tpu.memory_space<vmem>> -> memref<128xi32, #tpu.memory_space<vmem>>
      %dma_start3A_153 = arith.constant 0 : i32
      %dma_start3A_154 = arith.constant 0 : i32
      %dma_start3A_155 = tpu.memref_slice %arg11[%dma_start3A_153, %dma_start3A_154] : memref<10112x128xf32, #tpu.memory_space<vmem_shared>> -> memref<10112x128xf32, #tpu.memory_space<vmem_shared>>
      tpu.enqueue_indirect_dma source(%arg10 : memref<128x128xf32, #tpu.memory_space<vmem>>) target(%dma_start3A_155 : memref<10112x128xf32, #tpu.memory_space<vmem_shared>>) offsets(%dma_start3A_152 : memref<128xi32, #tpu.memory_space<vmem>>) semaphore(%arg13 : memref<!tpu.dma_semaphore, #tpu.memory_space<semaphore_mem>>) {add = true}
      %dma_wait3A_156 = arith.constant 0 : i32
      %dma_wait3A_157 = tpu.memref_slice %arg8[%add3A_117, %dma_wait3A_156] : memref<48x128xi32, #tpu.memory_space<vmem>> -> memref<1x128xi32, #tpu.memory_space<vmem>>
      %dma_wait3A_158 = tpu.memref_squeeze %dma_wait3A_157 : memref<1x128xi32, #tpu.memory_space<vmem>> -> memref<128xi32, #tpu.memory_space<vmem>>
      %dma_wait3A_159 = arith.constant 0 : i32
      %dma_wait3A_160 = arith.constant 0 : i32
      %dma_wait3A_161 = tpu.memref_slice %arg11[%dma_wait3A_159, %dma_wait3A_160] : memref<10112x128xf32, #tpu.memory_space<vmem_shared>> -> memref<10112x128xf32, #tpu.memory_space<vmem_shared>>
      tpu.wait_indirect_dma semaphore(%arg13 : memref<!tpu.dma_semaphore, #tpu.memory_space<semaphore_mem>>) src(%arg9 : memref<128x128xf32, #tpu.memory_space<vmem>>) dst(%dma_wait3A_161 : memref<10112x128xf32, #tpu.memory_space<vmem_shared>>)
      %dma_wait3A_162 = arith.constant 0 : i32
      %dma_wait3A_163 = tpu.memref_slice %arg8[%add3A_137, %dma_wait3A_162] : memref<48x128xi32, #tpu.memory_space<vmem>> -> memref<1x128xi32, #tpu.memory_space<vmem>>
      %dma_wait3A_164 = tpu.memref_squeeze %dma_wait3A_163 : memref<1x128xi32, #tpu.memory_space<vmem>> -> memref<128xi32, #tpu.memory_space<vmem>>
      %dma_wait3A_165 = arith.constant 0 : i32
      %dma_wait3A_166 = arith.constant 0 : i32
      %dma_wait3A_167 = tpu.memref_slice %arg11[%dma_wait3A_165, %dma_wait3A_166] : memref<10112x128xf32, #tpu.memory_space<vmem_shared>> -> memref<10112x128xf32, #tpu.memory_space<vmem_shared>>
      tpu.wait_indirect_dma semaphore(%arg13 : memref<!tpu.dma_semaphore, #tpu.memory_space<semaphore_mem>>) src(%arg10 : memref<128x128xf32, #tpu.memory_space<vmem>>) dst(%dma_wait3A_167 : memref<10112x128xf32, #tpu.memory_space<vmem_shared>>)
    }
    %while3A_33 = arith.constant 1 : i32
    scf.for %while3A_113 = %while3A_31 to %while3A_27 step %while3A_33  : i32 {
      %mul3A_114 = arith.constant 2 : i32
      %mul3A_115 = arith.muli %while3A_113, %mul3A_114 : i32
      %add3A_116 = arith.constant 0 : i32
      %add3A_117 = arith.addi %mul3A_115, %add3A_116 : i32
      %dma_start3A = arith.constant 0 : i32
      %dma_start3A_118 = tpu.memref_slice %arg7[%add3A_117, %dma_start3A] : memref<48x128xi32, #tpu.memory_space<vmem>> -> memref<1x128xi32, #tpu.memory_space<vmem>>
      %dma_start3A_119 = tpu.memref_squeeze %dma_start3A_118 : memref<1x128xi32, #tpu.memory_space<vmem>> -> memref<128xi32, #tpu.memory_space<vmem>>
      %dma_start3A_120 = arith.constant 0 : i32
      %dma_start3A_121 = arith.constant 0 : i32
      %dma_start3A_122 = tpu.memref_slice %arg2[%dma_start3A_120, %dma_start3A_121] : memref<10112x128xf32, #tpu.memory_space<hbm>> -> memref<10112x128xf32, #tpu.memory_space<hbm>>
      tpu.enqueue_indirect_dma source(%dma_start3A_122 : memref<10112x128xf32, #tpu.memory_space<hbm>>) target(%arg9 : memref<128x128xf32, #tpu.memory_space<vmem>>) offsets(%dma_start3A_119 : memref<128xi32, #tpu.memory_space<vmem>>) semaphore(%arg12 : memref<!tpu.dma_semaphore, #tpu.memory_space<semaphore_mem>>)
      %dma_wait3A = arith.constant 0 : i32
      %dma_wait3A_123 = tpu.memref_slice %arg7[%add3A_117, %dma_wait3A] : memref<48x128xi32, #tpu.memory_space<vmem>> -> memref<1x128xi32, #tpu.memory_space<vmem>>
      %dma_wait3A_124 = tpu.memref_squeeze %dma_wait3A_123 : memref<1x128xi32, #tpu.memory_space<vmem>> -> memref<128xi32, #tpu.memory_space<vmem>>
      %dma_wait3A_125 = arith.constant 0 : i32
      %dma_wait3A_126 = arith.constant 0 : i32
      %dma_wait3A_127 = tpu.memref_slice %arg2[%dma_wait3A_125, %dma_wait3A_126] : memref<10112x128xf32, #tpu.memory_space<hbm>> -> memref<10112x128xf32, #tpu.memory_space<hbm>>
      tpu.wait_indirect_dma semaphore(%arg12 : memref<!tpu.dma_semaphore, #tpu.memory_space<semaphore_mem>>) src(%dma_wait3A_127 : memref<10112x128xf32, #tpu.memory_space<hbm>>) dst(%arg9 : memref<128x128xf32, #tpu.memory_space<vmem>>)
      %dma_start3A_128 = arith.constant 0 : i32
      %dma_start3A_129 = tpu.memref_slice %arg8[%add3A_117, %dma_start3A_128] : memref<48x128xi32, #tpu.memory_space<vmem>> -> memref<1x128xi32, #tpu.memory_space<vmem>>
      %dma_start3A_130 = tpu.memref_squeeze %dma_start3A_129 : memref<1x128xi32, #tpu.memory_space<vmem>> -> memref<128xi32, #tpu.memory_space<vmem>>
      %dma_start3A_131 = arith.constant 0 : i32
      %dma_start3A_132 = arith.constant 0 : i32
      %dma_start3A_133 = tpu.memref_slice %arg11[%dma_start3A_131, %dma_start3A_132] : memref<10112x128xf32, #tpu.memory_space<vmem_shared>> -> memref<10112x128xf32, #tpu.memory_space<vmem_shared>>
      tpu.enqueue_indirect_dma source(%arg9 : memref<128x128xf32, #tpu.memory_space<vmem>>) target(%dma_start3A_133 : memref<10112x128xf32, #tpu.memory_space<vmem_shared>>) offsets(%dma_start3A_130 : memref<128xi32, #tpu.memory_space<vmem>>) semaphore(%arg13 : memref<!tpu.dma_semaphore, #tpu.memory_space<semaphore_mem>>) {add = true}
      %mul3A_134 = arith.constant 2 : i32
      %mul3A_135 = arith.muli %while3A_113, %mul3A_134 : i32
      %add3A_136 = arith.constant 1 : i32
      %add3A_137 = arith.addi %mul3A_135, %add3A_136 : i32
      %dma_start3A_138 = arith.constant 0 : i32
      %dma_start3A_139 = tpu.memref_slice %arg7[%add3A_137, %dma_start3A_138] : memref<48x128xi32, #tpu.memory_space<vmem>> -> memref<1x128xi32, #tpu.memory_space<vmem>>
      %dma_start3A_140 = tpu.memref_squeeze %dma_start3A_139 : memref<1x128xi32, #tpu.memory_space<vmem>> -> memref<128xi32, #tpu.memory_space<vmem>>
      %dma_start3A_141 = arith.constant 0 : i32
      %dma_start3A_142 = arith.constant 0 : i32
      %dma_start3A_143 = tpu.memref_slice %arg2[%dma_start3A_141, %dma_start3A_142] : memref<10112x128xf32, #tpu.memory_space<hbm>> -> memref<10112x128xf32, #tpu.memory_space<hbm>>
      tpu.enqueue_indirect_dma source(%dma_start3A_143 : memref<10112x128xf32, #tpu.memory_space<hbm>>) target(%arg10 : memref<128x128xf32, #tpu.memory_space<vmem>>) offsets(%dma_start3A_140 : memref<128xi32, #tpu.memory_space<vmem>>) semaphore(%arg12 : memref<!tpu.dma_semaphore, #tpu.memory_space<semaphore_mem>>)
      %dma_wait3A_144 = arith.constant 0 : i32
      %dma_wait3A_145 = tpu.memref_slice %arg7[%add3A_137, %dma_wait3A_144] : memref<48x128xi32, #tpu.memory_space<vmem>> -> memref<1x128xi32, #tpu.memory_space<vmem>>
      %dma_wait3A_146 = tpu.memref_squeeze %dma_wait3A_145 : memref<1x128xi32, #tpu.memory_space<vmem>> -> memref<128xi32, #tpu.memory_space<vmem>>
      %dma_wait3A_147 = arith.constant 0 : i32
      %dma_wait3A_148 = arith.constant 0 : i32
      %dma_wait3A_149 = tpu.memref_slice %arg2[%dma_wait3A_147, %dma_wait3A_148] : memref<10112x128xf32, #tpu.memory_space<hbm>> -> memref<10112x128xf32, #tpu.memory_space<hbm>>
      tpu.wait_indirect_dma semaphore(%arg12 : memref<!tpu.dma_semaphore, #tpu.memory_space<semaphore_mem>>) src(%dma_wait3A_149 : memref<10112x128xf32, #tpu.memory_space<hbm>>) dst(%arg10 : memref<128x128xf32, #tpu.memory_space<vmem>>)
      %dma_start3A_150 = arith.constant 0 : i32
      %dma_start3A_151 = tpu.memref_slice %arg8[%add3A_137, %dma_start3A_150] : memref<48x128xi32, #tpu.memory_space<vmem>> -> memref<1x128xi32, #tpu.memory_space<vmem>>
      %dma_start3A_152 = tpu.memref_squeeze %dma_start3A_151 : memref<1x128xi32, #tpu.memory_space<vmem>> -> memref<128xi32, #tpu.memory_space<vmem>>
      %dma_start3A_153 = arith.constant 0 : i32
      %dma_start3A_154 = arith.constant 0 : i32
      %dma_start3A_155 = tpu.memref_slice %arg11[%dma_start3A_153, %dma_start3A_154] : memref<10112x128xf32, #tpu.memory_space<vmem_shared>> -> memref<10112x128xf32, #tpu.memory_space<vmem_shared>>
      tpu.enqueue_indirect_dma source(%arg10 : memref<128x128xf32, #tpu.memory_space<vmem>>) target(%dma_start3A_155 : memref<10112x128xf32, #tpu.memory_space<vmem_shared>>) offsets(%dma_start3A_152 : memref<128xi32, #tpu.memory_space<vmem>>) semaphore(%arg13 : memref<!tpu.dma_semaphore, #tpu.memory_space<semaphore_mem>>) {add = true}
      %dma_wait3A_156 = arith.constant 0 : i32
      %dma_wait3A_157 = tpu.memref_slice %arg8[%add3A_117, %dma_wait3A_156] : memref<48x128xi32, #tpu.memory_space<vmem>> -> memref<1x128xi32, #tpu.memory_space<vmem>>
      %dma_wait3A_158 = tpu.memref_squeeze %dma_wait3A_157 : memref<1x128xi32, #tpu.memory_space<vmem>> -> memref<128xi32, #tpu.memory_space<vmem>>
      %dma_wait3A_159 = arith.constant 0 : i32
      %dma_wait3A_160 = arith.constant 0 : i32
      %dma_wait3A_161 = tpu.memref_slice %arg11[%dma_wait3A_159, %dma_wait3A_160] : memref<10112x128xf32, #tpu.memory_space<vmem_shared>> -> memref<10112x128xf32, #tpu.memory_space<vmem_shared>>
      tpu.wait_indirect_dma semaphore(%arg13 : memref<!tpu.dma_semaphore, #tpu.memory_space<semaphore_mem>>) src(%arg9 : memref<128x128xf32, #tpu.memory_space<vmem>>) dst(%dma_wait3A_161 : memref<10112x128xf32, #tpu.memory_space<vmem_shared>>)
      %dma_wait3A_162 = arith.constant 0 : i32
      %dma_wait3A_163 = tpu.memref_slice %arg8[%add3A_137, %dma_wait3A_162] : memref<48x128xi32, #tpu.memory_space<vmem>> -> memref<1x128xi32, #tpu.memory_space<vmem>>
      %dma_wait3A_164 = tpu.memref_squeeze %dma_wait3A_163 : memref<1x128xi32, #tpu.memory_space<vmem>> -> memref<128xi32, #tpu.memory_space<vmem>>
      %dma_wait3A_165 = arith.constant 0 : i32
      %dma_wait3A_166 = arith.constant 0 : i32
      %dma_wait3A_167 = tpu.memref_slice %arg11[%dma_wait3A_165, %dma_wait3A_166] : memref<10112x128xf32, #tpu.memory_space<vmem_shared>> -> memref<10112x128xf32, #tpu.memory_space<vmem_shared>>
      tpu.wait_indirect_dma semaphore(%arg13 : memref<!tpu.dma_semaphore, #tpu.memory_space<semaphore_mem>>) src(%arg10 : memref<128x128xf32, #tpu.memory_space<vmem>>) dst(%dma_wait3A_167 : memref<10112x128xf32, #tpu.memory_space<vmem_shared>>)
    }
    %jit3A_34 = arith.constant 2 : i32
    %eq3A_35 = arith.constant 0 : i32
    %eq3A_36 = arith.cmpi eq, %jit3A_34, %eq3A_35 : i32
    %jit3A_37 = arith.constant 1 : i32
    %select_n3A_38 = arith.select %eq3A_36, %jit3A_37, %jit3A_34 : i32
    %rem3A_39 = arith.remsi %min3A, %select_n3A_38 : i32
    %ne3A_40 = arith.constant 0 : i32
    %ne3A_41 = arith.cmpi ne, %rem3A_39, %ne3A_40 : i32
    %lt3A = arith.constant 0 : i32
    %lt3A_42 = arith.cmpi slt, %rem3A_39, %lt3A : i32
    %lt3A_43 = arith.constant 0 : i32
    %lt3A_44 = arith.cmpi slt, %select_n3A_38, %lt3A_43 : i32
    %ne3A_45 = arith.xori %lt3A_42, %lt3A_44 : i1
    %and3A_46 = arith.andi %ne3A_45, %ne3A_41 : i1
    %add3A = arith.addi %rem3A_39, %select_n3A_38 : i32
    %select_n3A_47 = arith.select %and3A_46, %add3A, %rem3A_39 : i32
    %eq3A_48 = arith.constant 1 : i32
    %eq3A_49 = arith.cmpi eq, %select_n3A_47, %eq3A_48 : i32
    %convert_element_type3A = arith.extui %eq3A_49 : i1 to i32
    %cond3A = arith.constant 0 : i32
    %cond3A_50 = arith.cmpi ne, %convert_element_type3A, %cond3A : i32
    scf.if %cond3A_50 {
      %sub3A_113 = arith.constant 1 : i32
      %sub3A_114 = arith.subi %min3A, %sub3A_113 : i32
      %dma_start3A = arith.constant 0 : i32
      %dma_start3A_115 = tpu.memref_slice %arg7[%sub3A_114, %dma_start3A] : memref<48x128xi32, #tpu.memory_space<vmem>> -> memref<1x128xi32, #tpu.memory_space<vmem>>
      %dma_start3A_116 = tpu.memref_squeeze %dma_start3A_115 : memref<1x128xi32, #tpu.memory_space<vmem>> -> memref<128xi32, #tpu.memory_space<vmem>>
      %dma_start3A_117 = arith.constant 0 : i32
      %dma_start3A_118 = arith.constant 0 : i32
      %dma_start3A_119 = tpu.memref_slice %arg2[%dma_start3A_117, %dma_start3A_118] : memref<10112x128xf32, #tpu.memory_space<hbm>> -> memref<10112x128xf32, #tpu.memory_space<hbm>>
      tpu.enqueue_indirect_dma source(%dma_start3A_119 : memref<10112x128xf32, #tpu.memory_space<hbm>>) target(%arg9 : memref<128x128xf32, #tpu.memory_space<vmem>>) offsets(%dma_start3A_116 : memref<128xi32, #tpu.memory_space<vmem>>) semaphore(%arg12 : memref<!tpu.dma_semaphore, #tpu.memory_space<semaphore_mem>>)
      %dma_wait3A = arith.constant 0 : i32
      %dma_wait3A_120 = tpu.memref_slice %arg7[%sub3A_114, %dma_wait3A] : memref<48x128xi32, #tpu.memory_space<vmem>> -> memref<1x128xi32, #tpu.memory_space<vmem>>
      %dma_wait3A_121 = tpu.memref_squeeze %dma_wait3A_120 : memref<1x128xi32, #tpu.memory_space<vmem>> -> memref<128xi32, #tpu.memory_space<vmem>>
      %dma_wait3A_122 = arith.constant 0 : i32
      %dma_wait3A_123 = arith.constant 0 : i32
      %dma_wait3A_124 = tpu.memref_slice %arg2[%dma_wait3A_122, %dma_wait3A_123] : memref<10112x128xf32, #tpu.memory_space<hbm>> -> memref<10112x128xf32, #tpu.memory_space<hbm>>
      tpu.wait_indirect_dma semaphore(%arg12 : memref<!tpu.dma_semaphore, #tpu.memory_space<semaphore_mem>>) src(%dma_wait3A_124 : memref<10112x128xf32, #tpu.memory_space<hbm>>) dst(%arg9 : memref<128x128xf32, #tpu.memory_space<vmem>>)
      "tpu.region"() ({
        %run_scoped3A = tpu.sem_alloc : memref<!tpu.dma_semaphore, #tpu.memory_space<semaphore_mem>>
        %dma_start3A_125 = arith.constant 0 : i32
        %dma_start3A_126 = tpu.memref_slice %arg8[%sub3A_114, %dma_start3A_125] : memref<48x128xi32, #tpu.memory_space<vmem>> -> memref<1x128xi32, #tpu.memory_space<vmem>>
        %dma_start3A_127 = tpu.memref_squeeze %dma_start3A_126 : memref<1x128xi32, #tpu.memory_space<vmem>> -> memref<128xi32, #tpu.memory_space<vmem>>
        %dma_start3A_128 = arith.constant 0 : i32
        %dma_start3A_129 = arith.constant 0 : i32
        %dma_start3A_130 = tpu.memref_slice %arg11[%dma_start3A_128, %dma_start3A_129] : memref<10112x128xf32, #tpu.memory_space<vmem_shared>> -> memref<10112x128xf32, #tpu.memory_space<vmem_shared>>
        tpu.enqueue_indirect_dma source(%arg9 : memref<128x128xf32, #tpu.memory_space<vmem>>) target(%dma_start3A_130 : memref<10112x128xf32, #tpu.memory_space<vmem_shared>>) offsets(%dma_start3A_127 : memref<128xi32, #tpu.memory_space<vmem>>) semaphore(%run_scoped3A : memref<!tpu.dma_semaphore, #tpu.memory_space<semaphore_mem>>) {add = true}
        %dma_wait3A_131 = arith.constant 0 : i32
        %dma_wait3A_132 = tpu.memref_slice %arg8[%sub3A_114, %dma_wait3A_131] : memref<48x128xi32, #tpu.memory_space<vmem>> -> memref<1x128xi32, #tpu.memory_space<vmem>>
        %dma_wait3A_133 = tpu.memref_squeeze %dma_wait3A_132 : memref<1x128xi32, #tpu.memory_space<vmem>> -> memref<128xi32, #tpu.memory_space<vmem>>
        %dma_wait3A_134 = arith.constant 0 : i32
        %dma_wait3A_135 = arith.constant 0 : i32
        %dma_wait3A_136 = tpu.memref_slice %arg11[%dma_wait3A_134, %dma_wait3A_135] : memref<10112x128xf32, #tpu.memory_space<vmem_shared>> -> memref<10112x128xf32, #tpu.memory_space<vmem_shared>>
        tpu.wait_indirect_dma semaphore(%run_scoped3A : memref<!tpu.dma_semaphore, #tpu.memory_space<semaphore_mem>>) src(%arg9 : memref<128x128xf32, #tpu.memory_space<vmem>>) dst(%dma_wait3A_136 : memref<10112x128xf32, #tpu.memory_space<vmem_shared>>)
        tpu.yield
      }) : () -> ()
    } else {
    }
    "tpu.region"() ({
      %run_scoped3A = tpu.sem_alloc : memref<!tpu.dma_semaphore, #tpu.memory_space<semaphore_mem>>
      %dma_start3A = arith.constant 48 : i32
      %dma_start3A_113 = arith.constant 0 : i32
      %dma_start3A_114 = tpu.memref_slice %arg4[%arg0, %arg1, %dma_start3A, %dma_start3A_113] : memref<2x16x96x128xi32, #tpu.memory_space<hbm>> -> memref<1x1x48x128xi32, #tpu.memory_space<hbm>>
      %dma_start3A_115 = tpu.memref_squeeze %dma_start3A_114 : memref<1x1x48x128xi32, #tpu.memory_space<hbm>> -> memref<48x128xi32, #tpu.memory_space<hbm>>
      %dma_start3A_116 = arith.constant 48 : i32
      %dma_start3A_117 = arith.constant 0 : i32
      %dma_start3A_118 = tpu.memref_slice %arg4[%arg0, %arg1, %dma_start3A_116, %dma_start3A_117] : memref<2x16x96x128xi32, #tpu.memory_space<hbm>> -> memref<1x1x48x128xi32, #tpu.memory_space<hbm>>
      %dma_start3A_119 = tpu.memref_squeeze %dma_start3A_118 : memref<1x1x48x128xi32, #tpu.memory_space<hbm>> -> memref<48x128xi32, #tpu.memory_space<hbm>>
      tpu.enqueue_dma source(%dma_start3A_119 : memref<48x128xi32, #tpu.memory_space<hbm>>) target(%arg7 : memref<48x128xi32, #tpu.memory_space<vmem>>) target_semaphore(%run_scoped3A : memref<!tpu.dma_semaphore, #tpu.memory_space<semaphore_mem>>)
      %dma_wait3A = arith.constant 48 : i32
      %dma_wait3A_120 = arith.constant 0 : i32
      %dma_wait3A_121 = tpu.memref_slice %arg4[%arg0, %arg1, %dma_wait3A, %dma_wait3A_120] : memref<2x16x96x128xi32, #tpu.memory_space<hbm>> -> memref<1x1x48x128xi32, #tpu.memory_space<hbm>>
      %dma_wait3A_122 = tpu.memref_squeeze %dma_wait3A_121 : memref<1x1x48x128xi32, #tpu.memory_space<hbm>> -> memref<48x128xi32, #tpu.memory_space<hbm>>
      %dma_wait3A_123 = arith.constant 48 : i32
      %dma_wait3A_124 = arith.constant 0 : i32
      %dma_wait3A_125 = tpu.memref_slice %arg4[%arg0, %arg1, %dma_wait3A_123, %dma_wait3A_124] : memref<2x16x96x128xi32, #tpu.memory_space<hbm>> -> memref<1x1x48x128xi32, #tpu.memory_space<hbm>>
      %dma_wait3A_126 = tpu.memref_squeeze %dma_wait3A_125 : memref<1x1x48x128xi32, #tpu.memory_space<hbm>> -> memref<48x128xi32, #tpu.memory_space<hbm>>
      tpu.wait_dma2 semaphore(%run_scoped3A : memref<!tpu.dma_semaphore, #tpu.memory_space<semaphore_mem>>) src(%dma_wait3A_126 : memref<48x128xi32, #tpu.memory_space<hbm>>) dst(%arg7 : memref<48x128xi32, #tpu.memory_space<vmem>>)
      tpu.yield
    }) : () -> ()
    "tpu.region"() ({
      %run_scoped3A = tpu.sem_alloc : memref<!tpu.dma_semaphore, #tpu.memory_space<semaphore_mem>>
      %dma_start3A = arith.constant 48 : i32
      %dma_start3A_113 = arith.constant 0 : i32
      %dma_start3A_114 = tpu.memref_slice %arg5[%arg0, %arg1, %dma_start3A, %dma_start3A_113] : memref<2x16x96x128xi32, #tpu.memory_space<hbm>> -> memref<1x1x48x128xi32, #tpu.memory_space<hbm>>
      %dma_start3A_115 = tpu.memref_squeeze %dma_start3A_114 : memref<1x1x48x128xi32, #tpu.memory_space<hbm>> -> memref<48x128xi32, #tpu.memory_space<hbm>>
      %dma_start3A_116 = arith.constant 48 : i32
      %dma_start3A_117 = arith.constant 0 : i32
      %dma_start3A_118 = tpu.memref_slice %arg5[%arg0, %arg1, %dma_start3A_116, %dma_start3A_117] : memref<2x16x96x128xi32, #tpu.memory_space<hbm>> -> memref<1x1x48x128xi32, #tpu.memory_space<hbm>>
      %dma_start3A_119 = tpu.memref_squeeze %dma_start3A_118 : memref<1x1x48x128xi32, #tpu.memory_space<hbm>> -> memref<48x128xi32, #tpu.memory_space<hbm>>
      tpu.enqueue_dma source(%dma_start3A_119 : memref<48x128xi32, #tpu.memory_space<hbm>>) target(%arg8 : memref<48x128xi32, #tpu.memory_space<vmem>>) target_semaphore(%run_scoped3A : memref<!tpu.dma_semaphore, #tpu.memory_space<semaphore_mem>>)
      %dma_wait3A = arith.constant 48 : i32
      %dma_wait3A_120 = arith.constant 0 : i32
      %dma_wait3A_121 = tpu.memref_slice %arg5[%arg0, %arg1, %dma_wait3A, %dma_wait3A_120] : memref<2x16x96x128xi32, #tpu.memory_space<hbm>> -> memref<1x1x48x128xi32, #tpu.memory_space<hbm>>
      %dma_wait3A_122 = tpu.memref_squeeze %dma_wait3A_121 : memref<1x1x48x128xi32, #tpu.memory_space<hbm>> -> memref<48x128xi32, #tpu.memory_space<hbm>>
      %dma_wait3A_123 = arith.constant 48 : i32
      %dma_wait3A_124 = arith.constant 0 : i32
      %dma_wait3A_125 = tpu.memref_slice %arg5[%arg0, %arg1, %dma_wait3A_123, %dma_wait3A_124] : memref<2x16x96x128xi32, #tpu.memory_space<hbm>> -> memref<1x1x48x128xi32, #tpu.memory_space<hbm>>
      %dma_wait3A_126 = tpu.memref_squeeze %dma_wait3A_125 : memref<1x1x48x128xi32, #tpu.memory_space<hbm>> -> memref<48x128xi32, #tpu.memory_space<hbm>>
      tpu.wait_dma2 semaphore(%run_scoped3A : memref<!tpu.dma_semaphore, #tpu.memory_space<semaphore_mem>>) src(%dma_wait3A_126 : memref<48x128xi32, #tpu.memory_space<hbm>>) dst(%arg8 : memref<48x128xi32, #tpu.memory_space<vmem>>)
      tpu.yield
    }) : () -> ()
    %sub3A_51 = arith.constant 48 : i32
    %sub3A_52 = arith.subi %select_n3A, %sub3A_51 : i32
    %jit3A_53 = arith.constant 0 : i32
    %jit3A_54 = arith.constant 48 : i32
    %max3A_55 = arith.maxsi %jit3A_53, %sub3A_52 : i32
    %min3A_56 = arith.minsi %jit3A_54, %max3A_55 : i32
    %jit3A_57 = arith.constant 2 : i32
    %div3A_58 = arith.divsi %min3A_56, %jit3A_57 : i32
    %sign3A_59 = arith.constant 0 : i32
    %sign3A_60 = arith.cmpi sgt, %min3A_56, %sign3A_59 : i32
    %sign3A_61 = arith.extui %sign3A_60 : i1 to i32
    %sign3A_62 = arith.constant 0 : i32
    %sign3A_63 = arith.cmpi slt, %min3A_56, %sign3A_62 : i32
    %sign3A_64 = arith.extui %sign3A_63 : i1 to i32
    %sign3A_65 = arith.subi %sign3A_61, %sign3A_64 : i32
    %sign3A_66 = arith.constant 0 : i32
    %sign3A_67 = arith.cmpi sgt, %jit3A_57, %sign3A_66 : i32
    %sign3A_68 = arith.extui %sign3A_67 : i1 to i32
    %sign3A_69 = arith.constant 0 : i32
    %sign3A_70 = arith.cmpi slt, %jit3A_57, %sign3A_69 : i32
    %sign3A_71 = arith.extui %sign3A_70 : i1 to i32
    %sign3A_72 = arith.subi %sign3A_68, %sign3A_71 : i32
    %ne3A_73 = arith.cmpi ne, %sign3A_65, %sign3A_72 : i32
    %rem3A_74 = arith.remsi %min3A_56, %jit3A_57 : i32
    %ne3A_75 = arith.constant 0 : i32
    %ne3A_76 = arith.cmpi ne, %rem3A_74, %ne3A_75 : i32
    %and3A_77 = arith.andi %ne3A_73, %ne3A_76 : i1
    %sub3A_78 = arith.constant 1 : i32
    %sub3A_79 = arith.subi %div3A_58, %sub3A_78 : i32
    %select_n3A_80 = arith.select %and3A_77, %sub3A_79, %div3A_58 : i32
    %while3A_81 = arith.constant 0 : i32
    %while3A_82 = arith.constant 0 : i32
    %while3A_83 = arith.subi %select_n3A_80, %while3A_82 : i32
    %while3A_84 = arith.addi %while3A_82, %while3A_83 : i32
    %while3A_85 = arith.constant 1 : i32
    %while3A_86 = arith.divsi %while3A_83, %while3A_85 : i32
    %while3A_87 = arith.muli %while3A_86, %while3A_85 : i32
    %while3A_88 = arith.addi %while3A_82, %while3A_87 : i32
    %while3A_89 = arith.constant 1 : i32
    scf.for %while3A_113 = %while3A_82 to %while3A_88 step %while3A_89  : i32 {
      %mul3A_114 = arith.constant 2 : i32
      %mul3A_115 = arith.muli %while3A_113, %mul3A_114 : i32
      %add3A_116 = arith.constant 0 : i32
      %add3A_117 = arith.addi %mul3A_115, %add3A_116 : i32
      %dma_start3A = arith.constant 0 : i32
      %dma_start3A_118 = tpu.memref_slice %arg7[%add3A_117, %dma_start3A] : memref<48x128xi32, #tpu.memory_space<vmem>> -> memref<1x128xi32, #tpu.memory_space<vmem>>
      %dma_start3A_119 = tpu.memref_squeeze %dma_start3A_118 : memref<1x128xi32, #tpu.memory_space<vmem>> -> memref<128xi32, #tpu.memory_space<vmem>>
      %dma_start3A_120 = arith.constant 0 : i32
      %dma_start3A_121 = arith.constant 0 : i32
      %dma_start3A_122 = tpu.memref_slice %arg2[%dma_start3A_120, %dma_start3A_121] : memref<10112x128xf32, #tpu.memory_space<hbm>> -> memref<10112x128xf32, #tpu.memory_space<hbm>>
      tpu.enqueue_indirect_dma source(%dma_start3A_122 : memref<10112x128xf32, #tpu.memory_space<hbm>>) target(%arg9 : memref<128x128xf32, #tpu.memory_space<vmem>>) offsets(%dma_start3A_119 : memref<128xi32, #tpu.memory_space<vmem>>) semaphore(%arg12 : memref<!tpu.dma_semaphore, #tpu.memory_space<semaphore_mem>>)
      %dma_wait3A = arith.constant 0 : i32
      %dma_wait3A_123 = tpu.memref_slice %arg7[%add3A_117, %dma_wait3A] : memref<48x128xi32, #tpu.memory_space<vmem>> -> memref<1x128xi32, #tpu.memory_space<vmem>>
      %dma_wait3A_124 = tpu.memref_squeeze %dma_wait3A_123 : memref<1x128xi32, #tpu.memory_space<vmem>> -> memref<128xi32, #tpu.memory_space<vmem>>
      %dma_wait3A_125 = arith.constant 0 : i32
      %dma_wait3A_126 = arith.constant 0 : i32
      %dma_wait3A_127 = tpu.memref_slice %arg2[%dma_wait3A_125, %dma_wait3A_126] : memref<10112x128xf32, #tpu.memory_space<hbm>> -> memref<10112x128xf32, #tpu.memory_space<hbm>>
      tpu.wait_indirect_dma semaphore(%arg12 : memref<!tpu.dma_semaphore, #tpu.memory_space<semaphore_mem>>) src(%dma_wait3A_127 : memref<10112x128xf32, #tpu.memory_space<hbm>>) dst(%arg9 : memref<128x128xf32, #tpu.memory_space<vmem>>)
      %dma_start3A_128 = arith.constant 0 : i32
      %dma_start3A_129 = tpu.memref_slice %arg8[%add3A_117, %dma_start3A_128] : memref<48x128xi32, #tpu.memory_space<vmem>> -> memref<1x128xi32, #tpu.memory_space<vmem>>
      %dma_start3A_130 = tpu.memref_squeeze %dma_start3A_129 : memref<1x128xi32, #tpu.memory_space<vmem>> -> memref<128xi32, #tpu.memory_space<vmem>>
      %dma_start3A_131 = arith.constant 0 : i32
      %dma_start3A_132 = arith.constant 0 : i32
      %dma_start3A_133 = tpu.memref_slice %arg11[%dma_start3A_131, %dma_start3A_132] : memref<10112x128xf32, #tpu.memory_space<vmem_shared>> -> memref<10112x128xf32, #tpu.memory_space<vmem_shared>>
      tpu.enqueue_indirect_dma source(%arg9 : memref<128x128xf32, #tpu.memory_space<vmem>>) target(%dma_start3A_133 : memref<10112x128xf32, #tpu.memory_space<vmem_shared>>) offsets(%dma_start3A_130 : memref<128xi32, #tpu.memory_space<vmem>>) semaphore(%arg13 : memref<!tpu.dma_semaphore, #tpu.memory_space<semaphore_mem>>) {add = true}
      %mul3A_134 = arith.constant 2 : i32
      %mul3A_135 = arith.muli %while3A_113, %mul3A_134 : i32
      %add3A_136 = arith.constant 1 : i32
      %add3A_137 = arith.addi %mul3A_135, %add3A_136 : i32
      %dma_start3A_138 = arith.constant 0 : i32
      %dma_start3A_139 = tpu.memref_slice %arg7[%add3A_137, %dma_start3A_138] : memref<48x128xi32, #tpu.memory_space<vmem>> -> memref<1x128xi32, #tpu.memory_space<vmem>>
      %dma_start3A_140 = tpu.memref_squeeze %dma_start3A_139 : memref<1x128xi32, #tpu.memory_space<vmem>> -> memref<128xi32, #tpu.memory_space<vmem>>
      %dma_start3A_141 = arith.constant 0 : i32
      %dma_start3A_142 = arith.constant 0 : i32
      %dma_start3A_143 = tpu.memref_slice %arg2[%dma_start3A_141, %dma_start3A_142] : memref<10112x128xf32, #tpu.memory_space<hbm>> -> memref<10112x128xf32, #tpu.memory_space<hbm>>
      tpu.enqueue_indirect_dma source(%dma_start3A_143 : memref<10112x128xf32, #tpu.memory_space<hbm>>) target(%arg10 : memref<128x128xf32, #tpu.memory_space<vmem>>) offsets(%dma_start3A_140 : memref<128xi32, #tpu.memory_space<vmem>>) semaphore(%arg12 : memref<!tpu.dma_semaphore, #tpu.memory_space<semaphore_mem>>)
      %dma_wait3A_144 = arith.constant 0 : i32
      %dma_wait3A_145 = tpu.memref_slice %arg7[%add3A_137, %dma_wait3A_144] : memref<48x128xi32, #tpu.memory_space<vmem>> -> memref<1x128xi32, #tpu.memory_space<vmem>>
      %dma_wait3A_146 = tpu.memref_squeeze %dma_wait3A_145 : memref<1x128xi32, #tpu.memory_space<vmem>> -> memref<128xi32, #tpu.memory_space<vmem>>
      %dma_wait3A_147 = arith.constant 0 : i32
      %dma_wait3A_148 = arith.constant 0 : i32
      %dma_wait3A_149 = tpu.memref_slice %arg2[%dma_wait3A_147, %dma_wait3A_148] : memref<10112x128xf32, #tpu.memory_space<hbm>> -> memref<10112x128xf32, #tpu.memory_space<hbm>>
      tpu.wait_indirect_dma semaphore(%arg12 : memref<!tpu.dma_semaphore, #tpu.memory_space<semaphore_mem>>) src(%dma_wait3A_149 : memref<10112x128xf32, #tpu.memory_space<hbm>>) dst(%arg10 : memref<128x128xf32, #tpu.memory_space<vmem>>)
      %dma_start3A_150 = arith.constant 0 : i32
      %dma_start3A_151 = tpu.memref_slice %arg8[%add3A_137, %dma_start3A_150] : memref<48x128xi32, #tpu.memory_space<vmem>> -> memref<1x128xi32, #tpu.memory_space<vmem>>
      %dma_start3A_152 = tpu.memref_squeeze %dma_start3A_151 : memref<1x128xi32, #tpu.memory_space<vmem>> -> memref<128xi32, #tpu.memory_space<vmem>>
      %dma_start3A_153 = arith.constant 0 : i32
      %dma_start3A_154 = arith.constant 0 : i32
      %dma_start3A_155 = tpu.memref_slice %arg11[%dma_start3A_153, %dma_start3A_154] : memref<10112x128xf32, #tpu.memory_space<vmem_shared>> -> memref<10112x128xf32, #tpu.memory_space<vmem_shared>>
      tpu.enqueue_indirect_dma source(%arg10 : memref<128x128xf32, #tpu.memory_space<vmem>>) target(%dma_start3A_155 : memref<10112x128xf32, #tpu.memory_space<vmem_shared>>) offsets(%dma_start3A_152 : memref<128xi32, #tpu.memory_space<vmem>>) semaphore(%arg13 : memref<!tpu.dma_semaphore, #tpu.memory_space<semaphore_mem>>) {add = true}
      %dma_wait3A_156 = arith.constant 0 : i32
      %dma_wait3A_157 = tpu.memref_slice %arg8[%add3A_117, %dma_wait3A_156] : memref<48x128xi32, #tpu.memory_space<vmem>> -> memref<1x128xi32, #tpu.memory_space<vmem>>
      %dma_wait3A_158 = tpu.memref_squeeze %dma_wait3A_157 : memref<1x128xi32, #tpu.memory_space<vmem>> -> memref<128xi32, #tpu.memory_space<vmem>>
      %dma_wait3A_159 = arith.constant 0 : i32
      %dma_wait3A_160 = arith.constant 0 : i32
      %dma_wait3A_161 = tpu.memref_slice %arg11[%dma_wait3A_159, %dma_wait3A_160] : memref<10112x128xf32, #tpu.memory_space<vmem_shared>> -> memref<10112x128xf32, #tpu.memory_space<vmem_shared>>
      tpu.wait_indirect_dma semaphore(%arg13 : memref<!tpu.dma_semaphore, #tpu.memory_space<semaphore_mem>>) src(%arg9 : memref<128x128xf32, #tpu.memory_space<vmem>>) dst(%dma_wait3A_161 : memref<10112x128xf32, #tpu.memory_space<vmem_shared>>)
      %dma_wait3A_162 = arith.constant 0 : i32
      %dma_wait3A_163 = tpu.memref_slice %arg8[%add3A_137, %dma_wait3A_162] : memref<48x128xi32, #tpu.memory_space<vmem>> -> memref<1x128xi32, #tpu.memory_space<vmem>>
      %dma_wait3A_164 = tpu.memref_squeeze %dma_wait3A_163 : memref<1x128xi32, #tpu.memory_space<vmem>> -> memref<128xi32, #tpu.memory_space<vmem>>
      %dma_wait3A_165 = arith.constant 0 : i32
      %dma_wait3A_166 = arith.constant 0 : i32
      %dma_wait3A_167 = tpu.memref_slice %arg11[%dma_wait3A_165, %dma_wait3A_166] : memref<10112x128xf32, #tpu.memory_space<vmem_shared>> -> memref<10112x128xf32, #tpu.memory_space<vmem_shared>>
      tpu.wait_indirect_dma semaphore(%arg13 : memref<!tpu.dma_semaphore, #tpu.memory_space<semaphore_mem>>) src(%arg10 : memref<128x128xf32, #tpu.memory_space<vmem>>) dst(%dma_wait3A_167 : memref<10112x128xf32, #tpu.memory_space<vmem_shared>>)
    }
    %while3A_90 = arith.constant 1 : i32
    scf.for %while3A_113 = %while3A_88 to %while3A_84 step %while3A_90  : i32 {
      %mul3A_114 = arith.constant 2 : i32
      %mul3A_115 = arith.muli %while3A_113, %mul3A_114 : i32
      %add3A_116 = arith.constant 0 : i32
      %add3A_117 = arith.addi %mul3A_115, %add3A_116 : i32
      %dma_start3A = arith.constant 0 : i32
      %dma_start3A_118 = tpu.memref_slice %arg7[%add3A_117, %dma_start3A] : memref<48x128xi32, #tpu.memory_space<vmem>> -> memref<1x128xi32, #tpu.memory_space<vmem>>
      %dma_start3A_119 = tpu.memref_squeeze %dma_start3A_118 : memref<1x128xi32, #tpu.memory_space<vmem>> -> memref<128xi32, #tpu.memory_space<vmem>>
      %dma_start3A_120 = arith.constant 0 : i32
      %dma_start3A_121 = arith.constant 0 : i32
      %dma_start3A_122 = tpu.memref_slice %arg2[%dma_start3A_120, %dma_start3A_121] : memref<10112x128xf32, #tpu.memory_space<hbm>> -> memref<10112x128xf32, #tpu.memory_space<hbm>>
      tpu.enqueue_indirect_dma source(%dma_start3A_122 : memref<10112x128xf32, #tpu.memory_space<hbm>>) target(%arg9 : memref<128x128xf32, #tpu.memory_space<vmem>>) offsets(%dma_start3A_119 : memref<128xi32, #tpu.memory_space<vmem>>) semaphore(%arg12 : memref<!tpu.dma_semaphore, #tpu.memory_space<semaphore_mem>>)
      %dma_wait3A = arith.constant 0 : i32
      %dma_wait3A_123 = tpu.memref_slice %arg7[%add3A_117, %dma_wait3A] : memref<48x128xi32, #tpu.memory_space<vmem>> -> memref<1x128xi32, #tpu.memory_space<vmem>>
      %dma_wait3A_124 = tpu.memref_squeeze %dma_wait3A_123 : memref<1x128xi32, #tpu.memory_space<vmem>> -> memref<128xi32, #tpu.memory_space<vmem>>
      %dma_wait3A_125 = arith.constant 0 : i32
      %dma_wait3A_126 = arith.constant 0 : i32
      %dma_wait3A_127 = tpu.memref_slice %arg2[%dma_wait3A_125, %dma_wait3A_126] : memref<10112x128xf32, #tpu.memory_space<hbm>> -> memref<10112x128xf32, #tpu.memory_space<hbm>>
      tpu.wait_indirect_dma semaphore(%arg12 : memref<!tpu.dma_semaphore, #tpu.memory_space<semaphore_mem>>) src(%dma_wait3A_127 : memref<10112x128xf32, #tpu.memory_space<hbm>>) dst(%arg9 : memref<128x128xf32, #tpu.memory_space<vmem>>)
      %dma_start3A_128 = arith.constant 0 : i32
      %dma_start3A_129 = tpu.memref_slice %arg8[%add3A_117, %dma_start3A_128] : memref<48x128xi32, #tpu.memory_space<vmem>> -> memref<1x128xi32, #tpu.memory_space<vmem>>
      %dma_start3A_130 = tpu.memref_squeeze %dma_start3A_129 : memref<1x128xi32, #tpu.memory_space<vmem>> -> memref<128xi32, #tpu.memory_space<vmem>>
      %dma_start3A_131 = arith.constant 0 : i32
      %dma_start3A_132 = arith.constant 0 : i32
      %dma_start3A_133 = tpu.memref_slice %arg11[%dma_start3A_131, %dma_start3A_132] : memref<10112x128xf32, #tpu.memory_space<vmem_shared>> -> memref<10112x128xf32, #tpu.memory_space<vmem_shared>>
      tpu.enqueue_indirect_dma source(%arg9 : memref<128x128xf32, #tpu.memory_space<vmem>>) target(%dma_start3A_133 : memref<10112x128xf32, #tpu.memory_space<vmem_shared>>) offsets(%dma_start3A_130 : memref<128xi32, #tpu.memory_space<vmem>>) semaphore(%arg13 : memref<!tpu.dma_semaphore, #tpu.memory_space<semaphore_mem>>) {add = true}
      %mul3A_134 = arith.constant 2 : i32
      %mul3A_135 = arith.muli %while3A_113, %mul3A_134 : i32
      %add3A_136 = arith.constant 1 : i32
      %add3A_137 = arith.addi %mul3A_135, %add3A_136 : i32
      %dma_start3A_138 = arith.constant 0 : i32
      %dma_start3A_139 = tpu.memref_slice %arg7[%add3A_137, %dma_start3A_138] : memref<48x128xi32, #tpu.memory_space<vmem>> -> memref<1x128xi32, #tpu.memory_space<vmem>>
      %dma_start3A_140 = tpu.memref_squeeze %dma_start3A_139 : memref<1x128xi32, #tpu.memory_space<vmem>> -> memref<128xi32, #tpu.memory_space<vmem>>
      %dma_start3A_141 = arith.constant 0 : i32
      %dma_start3A_142 = arith.constant 0 : i32
      %dma_start3A_143 = tpu.memref_slice %arg2[%dma_start3A_141, %dma_start3A_142] : memref<10112x128xf32, #tpu.memory_space<hbm>> -> memref<10112x128xf32, #tpu.memory_space<hbm>>
      tpu.enqueue_indirect_dma source(%dma_start3A_143 : memref<10112x128xf32, #tpu.memory_space<hbm>>) target(%arg10 : memref<128x128xf32, #tpu.memory_space<vmem>>) offsets(%dma_start3A_140 : memref<128xi32, #tpu.memory_space<vmem>>) semaphore(%arg12 : memref<!tpu.dma_semaphore, #tpu.memory_space<semaphore_mem>>)
      %dma_wait3A_144 = arith.constant 0 : i32
      %dma_wait3A_145 = tpu.memref_slice %arg7[%add3A_137, %dma_wait3A_144] : memref<48x128xi32, #tpu.memory_space<vmem>> -> memref<1x128xi32, #tpu.memory_space<vmem>>
      %dma_wait3A_146 = tpu.memref_squeeze %dma_wait3A_145 : memref<1x128xi32, #tpu.memory_space<vmem>> -> memref<128xi32, #tpu.memory_space<vmem>>
      %dma_wait3A_147 = arith.constant 0 : i32
      %dma_wait3A_148 = arith.constant 0 : i32
      %dma_wait3A_149 = tpu.memref_slice %arg2[%dma_wait3A_147, %dma_wait3A_148] : memref<10112x128xf32, #tpu.memory_space<hbm>> -> memref<10112x128xf32, #tpu.memory_space<hbm>>
      tpu.wait_indirect_dma semaphore(%arg12 : memref<!tpu.dma_semaphore, #tpu.memory_space<semaphore_mem>>) src(%dma_wait3A_149 : memref<10112x128xf32, #tpu.memory_space<hbm>>) dst(%arg10 : memref<128x128xf32, #tpu.memory_space<vmem>>)
      %dma_start3A_150 = arith.constant 0 : i32
      %dma_start3A_151 = tpu.memref_slice %arg8[%add3A_137, %dma_start3A_150] : memref<48x128xi32, #tpu.memory_space<vmem>> -> memref<1x128xi32, #tpu.memory_space<vmem>>
      %dma_start3A_152 = tpu.memref_squeeze %dma_start3A_151 : memref<1x128xi32, #tpu.memory_space<vmem>> -> memref<128xi32, #tpu.memory_space<vmem>>
      %dma_start3A_153 = arith.constant 0 : i32
      %dma_start3A_154 = arith.constant 0 : i32
      %dma_start3A_155 = tpu.memref_slice %arg11[%dma_start3A_153, %dma_start3A_154] : memref<10112x128xf32, #tpu.memory_space<vmem_shared>> -> memref<10112x128xf32, #tpu.memory_space<vmem_shared>>
      tpu.enqueue_indirect_dma source(%arg10 : memref<128x128xf32, #tpu.memory_space<vmem>>) target(%dma_start3A_155 : memref<10112x128xf32, #tpu.memory_space<vmem_shared>>) offsets(%dma_start3A_152 : memref<128xi32, #tpu.memory_space<vmem>>) semaphore(%arg13 : memref<!tpu.dma_semaphore, #tpu.memory_space<semaphore_mem>>) {add = true}
      %dma_wait3A_156 = arith.constant 0 : i32
      %dma_wait3A_157 = tpu.memref_slice %arg8[%add3A_117, %dma_wait3A_156] : memref<48x128xi32, #tpu.memory_space<vmem>> -> memref<1x128xi32, #tpu.memory_space<vmem>>
      %dma_wait3A_158 = tpu.memref_squeeze %dma_wait3A_157 : memref<1x128xi32, #tpu.memory_space<vmem>> -> memref<128xi32, #tpu.memory_space<vmem>>
      %dma_wait3A_159 = arith.constant 0 : i32
      %dma_wait3A_160 = arith.constant 0 : i32
      %dma_wait3A_161 = tpu.memref_slice %arg11[%dma_wait3A_159, %dma_wait3A_160] : memref<10112x128xf32, #tpu.memory_space<vmem_shared>> -> memref<10112x128xf32, #tpu.memory_space<vmem_shared>>
      tpu.wait_indirect_dma semaphore(%arg13 : memref<!tpu.dma_semaphore, #tpu.memory_space<semaphore_mem>>) src(%arg9 : memref<128x128xf32, #tpu.memory_space<vmem>>) dst(%dma_wait3A_161 : memref<10112x128xf32, #tpu.memory_space<vmem_shared>>)
      %dma_wait3A_162 = arith.constant 0 : i32
      %dma_wait3A_163 = tpu.memref_slice %arg8[%add3A_137, %dma_wait3A_162] : memref<48x128xi32, #tpu.memory_space<vmem>> -> memref<1x128xi32, #tpu.memory_space<vmem>>
      %dma_wait3A_164 = tpu.memref_squeeze %dma_wait3A_163 : memref<1x128xi32, #tpu.memory_space<vmem>> -> memref<128xi32, #tpu.memory_space<vmem>>
      %dma_wait3A_165 = arith.constant 0 : i32
      %dma_wait3A_166 = arith.constant 0 : i32
      %dma_wait3A_167 = tpu.memref_slice %arg11[%dma_wait3A_165, %dma_wait3A_166] : memref<10112x128xf32, #tpu.memory_space<vmem_shared>> -> memref<10112x128xf32, #tpu.memory_space<vmem_shared>>
      tpu.wait_indirect_dma semaphore(%arg13 : memref<!tpu.dma_semaphore, #tpu.memory_space<semaphore_mem>>) src(%arg10 : memref<128x128xf32, #tpu.memory_space<vmem>>) dst(%dma_wait3A_167 : memref<10112x128xf32, #tpu.memory_space<vmem_shared>>)
    }
    %jit3A_91 = arith.constant 2 : i32
    %eq3A_92 = arith.constant 0 : i32
    %eq3A_93 = arith.cmpi eq, %jit3A_91, %eq3A_92 : i32
    %jit3A_94 = arith.constant 1 : i32
    %select_n3A_95 = arith.select %eq3A_93, %jit3A_94, %jit3A_91 : i32
    %rem3A_96 = arith.remsi %min3A_56, %select_n3A_95 : i32
    %ne3A_97 = arith.constant 0 : i32
    %ne3A_98 = arith.cmpi ne, %rem3A_96, %ne3A_97 : i32
    %lt3A_99 = arith.constant 0 : i32
    %lt3A_100 = arith.cmpi slt, %rem3A_96, %lt3A_99 : i32
    %lt3A_101 = arith.constant 0 : i32
    %lt3A_102 = arith.cmpi slt, %select_n3A_95, %lt3A_101 : i32
    %ne3A_103 = arith.xori %lt3A_100, %lt3A_102 : i1
    %and3A_104 = arith.andi %ne3A_103, %ne3A_98 : i1
    %add3A_105 = arith.addi %rem3A_96, %select_n3A_95 : i32
    %select_n3A_106 = arith.select %and3A_104, %add3A_105, %rem3A_96 : i32
    %eq3A_107 = arith.constant 1 : i32
    %eq3A_108 = arith.cmpi eq, %select_n3A_106, %eq3A_107 : i32
    %convert_element_type3A_109 = arith.extui %eq3A_108 : i1 to i32
    %cond3A_110 = arith.constant 0 : i32
    %cond3A_111 = arith.cmpi ne, %convert_element_type3A_109, %cond3A_110 : i32
    scf.if %cond3A_111 {
      %sub3A_113 = arith.constant 1 : i32
      %sub3A_114 = arith.subi %min3A_56, %sub3A_113 : i32
      %dma_start3A = arith.constant 0 : i32
      %dma_start3A_115 = tpu.memref_slice %arg7[%sub3A_114, %dma_start3A] : memref<48x128xi32, #tpu.memory_space<vmem>> -> memref<1x128xi32, #tpu.memory_space<vmem>>
      %dma_start3A_116 = tpu.memref_squeeze %dma_start3A_115 : memref<1x128xi32, #tpu.memory_space<vmem>> -> memref<128xi32, #tpu.memory_space<vmem>>
      %dma_start3A_117 = arith.constant 0 : i32
      %dma_start3A_118 = arith.constant 0 : i32
      %dma_start3A_119 = tpu.memref_slice %arg2[%dma_start3A_117, %dma_start3A_118] : memref<10112x128xf32, #tpu.memory_space<hbm>> -> memref<10112x128xf32, #tpu.memory_space<hbm>>
      tpu.enqueue_indirect_dma source(%dma_start3A_119 : memref<10112x128xf32, #tpu.memory_space<hbm>>) target(%arg9 : memref<128x128xf32, #tpu.memory_space<vmem>>) offsets(%dma_start3A_116 : memref<128xi32, #tpu.memory_space<vmem>>) semaphore(%arg12 : memref<!tpu.dma_semaphore, #tpu.memory_space<semaphore_mem>>)
      %dma_wait3A = arith.constant 0 : i32
      %dma_wait3A_120 = tpu.memref_slice %arg7[%sub3A_114, %dma_wait3A] : memref<48x128xi32, #tpu.memory_space<vmem>> -> memref<1x128xi32, #tpu.memory_space<vmem>>
      %dma_wait3A_121 = tpu.memref_squeeze %dma_wait3A_120 : memref<1x128xi32, #tpu.memory_space<vmem>> -> memref<128xi32, #tpu.memory_space<vmem>>
      %dma_wait3A_122 = arith.constant 0 : i32
      %dma_wait3A_123 = arith.constant 0 : i32
      %dma_wait3A_124 = tpu.memref_slice %arg2[%dma_wait3A_122, %dma_wait3A_123] : memref<10112x128xf32, #tpu.memory_space<hbm>> -> memref<10112x128xf32, #tpu.memory_space<hbm>>
      tpu.wait_indirect_dma semaphore(%arg12 : memref<!tpu.dma_semaphore, #tpu.memory_space<semaphore_mem>>) src(%dma_wait3A_124 : memref<10112x128xf32, #tpu.memory_space<hbm>>) dst(%arg9 : memref<128x128xf32, #tpu.memory_space<vmem>>)
      "tpu.region"() ({
        %run_scoped3A = tpu.sem_alloc : memref<!tpu.dma_semaphore, #tpu.memory_space<semaphore_mem>>
        %dma_start3A_125 = arith.constant 0 : i32
        %dma_start3A_126 = tpu.memref_slice %arg8[%sub3A_114, %dma_start3A_125] : memref<48x128xi32, #tpu.memory_space<vmem>> -> memref<1x128xi32, #tpu.memory_space<vmem>>
        %dma_start3A_127 = tpu.memref_squeeze %dma_start3A_126 : memref<1x128xi32, #tpu.memory_space<vmem>> -> memref<128xi32, #tpu.memory_space<vmem>>
        %dma_start3A_128 = arith.constant 0 : i32
        %dma_start3A_129 = arith.constant 0 : i32
        %dma_start3A_130 = tpu.memref_slice %arg11[%dma_start3A_128, %dma_start3A_129] : memref<10112x128xf32, #tpu.memory_space<vmem_shared>> -> memref<10112x128xf32, #tpu.memory_space<vmem_shared>>
        tpu.enqueue_indirect_dma source(%arg9 : memref<128x128xf32, #tpu.memory_space<vmem>>) target(%dma_start3A_130 : memref<10112x128xf32, #tpu.memory_space<vmem_shared>>) offsets(%dma_start3A_127 : memref<128xi32, #tpu.memory_space<vmem>>) semaphore(%run_scoped3A : memref<!tpu.dma_semaphore, #tpu.memory_space<semaphore_mem>>) {add = true}
        %dma_wait3A_131 = arith.constant 0 : i32
        %dma_wait3A_132 = tpu.memref_slice %arg8[%sub3A_114, %dma_wait3A_131] : memref<48x128xi32, #tpu.memory_space<vmem>> -> memref<1x128xi32, #tpu.memory_space<vmem>>
        %dma_wait3A_133 = tpu.memref_squeeze %dma_wait3A_132 : memref<1x128xi32, #tpu.memory_space<vmem>> -> memref<128xi32, #tpu.memory_space<vmem>>
        %dma_wait3A_134 = arith.constant 0 : i32
        %dma_wait3A_135 = arith.constant 0 : i32
        %dma_wait3A_136 = tpu.memref_slice %arg11[%dma_wait3A_134, %dma_wait3A_135] : memref<10112x128xf32, #tpu.memory_space<vmem_shared>> -> memref<10112x128xf32, #tpu.memory_space<vmem_shared>>
        tpu.wait_indirect_dma semaphore(%run_scoped3A : memref<!tpu.dma_semaphore, #tpu.memory_space<semaphore_mem>>) src(%arg9 : memref<128x128xf32, #tpu.memory_space<vmem>>) dst(%dma_wait3A_136 : memref<10112x128xf32, #tpu.memory_space<vmem_shared>>)
        tpu.yield
      }) : () -> ()
    } else {
    }
    %barrier3A_112 = arith.constant 0 : index
    tpu.barrier barrier_id(%barrier3A_112)
    "tpu.region"() ({
      %run_scoped3A = tpu.sem_alloc : memref<!tpu.dma_semaphore, #tpu.memory_space<semaphore_mem>>
      %dma_start3A = arith.constant 0 : i32
      %dma_start3A_113 = tpu.memref_slice %arg6[%arg0, %mul3A_0, %dma_start3A] : memref<2x10112x128xf32, #tpu.memory_space<hbm>> -> memref<1x632x128xf32, #tpu.memory_space<hbm>>
      %dma_start3A_114 = tpu.memref_squeeze %dma_start3A_113 : memref<1x632x128xf32, #tpu.memory_space<hbm>> -> memref<632x128xf32, #tpu.memory_space<hbm>>
      %dma_start3A_115 = arith.constant 0 : i32
      %dma_start3A_116 = tpu.memref_slice %arg11[%mul3A_0, %dma_start3A_115] : memref<10112x128xf32, #tpu.memory_space<vmem_shared>> -> memref<632x128xf32, #tpu.memory_space<vmem_shared>>
      tpu.enqueue_dma source(%dma_start3A_116 : memref<632x128xf32, #tpu.memory_space<vmem_shared>>) target(%dma_start3A_114 : memref<632x128xf32, #tpu.memory_space<hbm>>) target_semaphore(%run_scoped3A : memref<!tpu.dma_semaphore, #tpu.memory_space<semaphore_mem>>)
      %dma_wait3A = arith.constant 0 : i32
      %dma_wait3A_117 = tpu.memref_slice %arg6[%arg0, %mul3A_0, %dma_wait3A] : memref<2x10112x128xf32, #tpu.memory_space<hbm>> -> memref<1x632x128xf32, #tpu.memory_space<hbm>>
      %dma_wait3A_118 = tpu.memref_squeeze %dma_wait3A_117 : memref<1x632x128xf32, #tpu.memory_space<hbm>> -> memref<632x128xf32, #tpu.memory_space<hbm>>
      %dma_wait3A_119 = arith.constant 0 : i32
      %dma_wait3A_120 = tpu.memref_slice %arg11[%mul3A_0, %dma_wait3A_119] : memref<10112x128xf32, #tpu.memory_space<vmem_shared>> -> memref<632x128xf32, #tpu.memory_space<vmem_shared>>
      tpu.wait_dma2 semaphore(%run_scoped3A : memref<!tpu.dma_semaphore, #tpu.memory_space<semaphore_mem>>) src(%dma_wait3A_120 : memref<632x128xf32, #tpu.memory_space<vmem_shared>>) dst(%dma_wait3A_118 : memref<632x128xf32, #tpu.memory_space<hbm>>)
      tpu.yield
    }) : () -> ()
    return
  }
}

#map = affine_map<(d0, d1) -> (0, 0)>
#map1 = affine_map<(d0, d1) -> (0, 0, 0, 0)>
#map2 = affine_map<(d0, d1) -> (0, 0, 0)>
module attributes {stable_mosaic.version = 14 : i64} {
  func.func @segsum(%arg0: i32, %arg1: i32, %arg2: memref<10112x128xf32, #tpu.memory_space<hbm>>, %arg3: memref<632x128xf32, #tpu.memory_space<hbm>>, %arg4: memref<2x16x96x128xi32, #tpu.memory_space<hbm>>, %arg5: memref<2x16x96x128xi32, #tpu.memory_space<hbm>>, %arg6: memref<2x10112x128xf32, #tpu.memory_space<hbm>>, %arg7: memref<48x128xi32, #tpu.memory_space<vmem>>, %arg8: memref<48x128xi32, #tpu.memory_space<vmem>>, %arg9: memref<128x128xf32, #tpu.memory_space<vmem>>, %arg10: memref<128x128xf32, #tpu.memory_space<vmem>>, %arg11: memref<10112x128xf32, #tpu.memory_space<vmem_shared>>, %arg12: memref<!tpu.dma_semaphore, #tpu.memory_space<semaphore_mem>>, %arg13: memref<!tpu.dma_semaphore, #tpu.memory_space<semaphore_mem>>) attributes {dimension_semantics = [#tpu.dimension_semantics<core_parallel>, #tpu.dimension_semantics<subcore_parallel>], iteration_bounds = array<i64: 2, 16>, scalar_prefetch = 0 : i64, scratch_operands = 7 : i64, tpu.core_type = #tpu.core_type<sc_vector_subcore>, window_params = [{transform_indices = #map}, {transform_indices = #map}, {transform_indices = #map1}, {transform_indices = #map1}, {transform_indices = #map2}]} {
    %mul3A = arith.constant 632 : i32
    %mul3A_0 = arith.muli %arg1, %mul3A : i32
    "tpu.region"() ({
      %run_scoped3A = tpu.sem_alloc : memref<!tpu.dma_semaphore, #tpu.memory_space<semaphore_mem>>
      %dma_start3A = arith.constant 0 : i32
      %dma_start3A_113 = tpu.memref_slice %arg11[%mul3A_0, %dma_start3A] : memref<10112x128xf32, #tpu.memory_space<vmem_shared>> -> memref<632x128xf32, #tpu.memory_space<vmem_shared>>
      tpu.enqueue_dma source(%arg3 : memref<632x128xf32, #tpu.memory_space<hbm>>) target(%dma_start3A_113 : memref<632x128xf32, #tpu.memory_space<vmem_shared>>) target_semaphore(%run_scoped3A : memref<!tpu.dma_semaphore, #tpu.memory_space<semaphore_mem>>)
      %dma_wait3A = arith.constant 0 : i32
      %dma_wait3A_114 = tpu.memref_slice %arg11[%mul3A_0, %dma_wait3A] : memref<10112x128xf32, #tpu.memory_space<vmem_shared>> -> memref<632x128xf32, #tpu.memory_space<vmem_shared>>
      tpu.wait_dma2 semaphore(%run_scoped3A : memref<!tpu.dma_semaphore, #tpu.memory_space<semaphore_mem>>) src(%arg3 : memref<632x128xf32, #tpu.memory_space<hbm>>) dst(%dma_wait3A_114 : memref<632x128xf32, #tpu.memory_space<vmem_shared>>)
      tpu.yield
    }) : () -> ()
    %barrier3A = arith.constant 0 : index
    tpu.barrier barrier_id(%barrier3A)
    %eq3A = arith.constant 0 : i32
    %eq3A_1 = arith.cmpi eq, %arg0, %eq3A : i32
    %jit3A = arith.constant 96 : i32
    %jit3A_2 = arith.constant 61 : i32
    %select_n3A = arith.select %eq3A_1, %jit3A, %jit3A_2 : i32
    "tpu.region"() ({
      %run_scoped3A = tpu.sem_alloc : memref<!tpu.dma_semaphore, #tpu.memory_space<semaphore_mem>>
      %dma_start3A = arith.constant 0 : i32
      %dma_start3A_113 = arith.constant 0 : i32
      %dma_start3A_114 = tpu.memref_slice %arg4[%arg0, %arg1, %dma_start3A, %dma_start3A_113] : memref<2x16x96x128xi32, #tpu.memory_space<hbm>> -> memref<1x1x48x128xi32, #tpu.memory_space<hbm>>
      %dma_start3A_115 = tpu.memref_squeeze %dma_start3A_114 : memref<1x1x48x128xi32, #tpu.memory_space<hbm>> -> memref<48x128xi32, #tpu.memory_space<hbm>>
      %dma_start3A_116 = arith.constant 0 : i32
      %dma_start3A_117 = arith.constant 0 : i32
      %dma_start3A_118 = tpu.memref_slice %arg4[%arg0, %arg1, %dma_start3A_116, %dma_start3A_117] : memref<2x16x96x128xi32, #tpu.memory_space<hbm>> -> memref<1x1x48x128xi32, #tpu.memory_space<hbm>>
      %dma_start3A_119 = tpu.memref_squeeze %dma_start3A_118 : memref<1x1x48x128xi32, #tpu.memory_space<hbm>> -> memref<48x128xi32, #tpu.memory_space<hbm>>
      tpu.enqueue_dma source(%dma_start3A_119 : memref<48x128xi32, #tpu.memory_space<hbm>>) target(%arg7 : memref<48x128xi32, #tpu.memory_space<vmem>>) target_semaphore(%run_scoped3A : memref<!tpu.dma_semaphore, #tpu.memory_space<semaphore_mem>>)
      %dma_wait3A = arith.constant 0 : i32
      %dma_wait3A_120 = arith.constant 0 : i32
      %dma_wait3A_121 = tpu.memref_slice %arg4[%arg0, %arg1, %dma_wait3A, %dma_wait3A_120] : memref<2x16x96x128xi32, #tpu.memory_space<hbm>> -> memref<1x1x48x128xi32, #tpu.memory_space<hbm>>
      %dma_wait3A_122 = tpu.memref_squeeze %dma_wait3A_121 : memref<1x1x48x128xi32, #tpu.memory_space<hbm>> -> memref<48x128xi32, #tpu.memory_space<hbm>>
      %dma_wait3A_123 = arith.constant 0 : i32
      %dma_wait3A_124 = arith.constant 0 : i32
      %dma_wait3A_125 = tpu.memref_slice %arg4[%arg0, %arg1, %dma_wait3A_123, %dma_wait3A_124] : memref<2x16x96x128xi32, #tpu.memory_space<hbm>> -> memref<1x1x48x128xi32, #tpu.memory_space<hbm>>
      %dma_wait3A_126 = tpu.memref_squeeze %dma_wait3A_125 : memref<1x1x48x128xi32, #tpu.memory_space<hbm>> -> memref<48x128xi32, #tpu.memory_space<hbm>>
      tpu.wait_dma2 semaphore(%run_scoped3A : memref<!tpu.dma_semaphore, #tpu.memory_space<semaphore_mem>>) src(%dma_wait3A_126 : memref<48x128xi32, #tpu.memory_space<hbm>>) dst(%arg7 : memref<48x128xi32, #tpu.memory_space<vmem>>)
      tpu.yield
    }) : () -> ()
    "tpu.region"() ({
      %run_scoped3A = tpu.sem_alloc : memref<!tpu.dma_semaphore, #tpu.memory_space<semaphore_mem>>
      %dma_start3A = arith.constant 0 : i32
      %dma_start3A_113 = arith.constant 0 : i32
      %dma_start3A_114 = tpu.memref_slice %arg5[%arg0, %arg1, %dma_start3A, %dma_start3A_113] : memref<2x16x96x128xi32, #tpu.memory_space<hbm>> -> memref<1x1x48x128xi32, #tpu.memory_space<hbm>>
      %dma_start3A_115 = tpu.memref_squeeze %dma_start3A_114 : memref<1x1x48x128xi32, #tpu.memory_space<hbm>> -> memref<48x128xi32, #tpu.memory_space<hbm>>
      %dma_start3A_116 = arith.constant 0 : i32
      %dma_start3A_117 = arith.constant 0 : i32
      %dma_start3A_118 = tpu.memref_slice %arg5[%arg0, %arg1, %dma_start3A_116, %dma_start3A_117] : memref<2x16x96x128xi32, #tpu.memory_space<hbm>> -> memref<1x1x48x128xi32, #tpu.memory_space<hbm>>
      %dma_start3A_119 = tpu.memref_squeeze %dma_start3A_118 : memref<1x1x48x128xi32, #tpu.memory_space<hbm>> -> memref<48x128xi32, #tpu.memory_space<hbm>>
      tpu.enqueue_dma source(%dma_start3A_119 : memref<48x128xi32, #tpu.memory_space<hbm>>) target(%arg8 : memref<48x128xi32, #tpu.memory_space<vmem>>) target_semaphore(%run_scoped3A : memref<!tpu.dma_semaphore, #tpu.memory_space<semaphore_mem>>)
      %dma_wait3A = arith.constant 0 : i32
      %dma_wait3A_120 = arith.constant 0 : i32
      %dma_wait3A_121 = tpu.memref_slice %arg5[%arg0, %arg1, %dma_wait3A, %dma_wait3A_120] : memref<2x16x96x128xi32, #tpu.memory_space<hbm>> -> memref<1x1x48x128xi32, #tpu.memory_space<hbm>>
      %dma_wait3A_122 = tpu.memref_squeeze %dma_wait3A_121 : memref<1x1x48x128xi32, #tpu.memory_space<hbm>> -> memref<48x128xi32, #tpu.memory_space<hbm>>
      %dma_wait3A_123 = arith.constant 0 : i32
      %dma_wait3A_124 = arith.constant 0 : i32
      %dma_wait3A_125 = tpu.memref_slice %arg5[%arg0, %arg1, %dma_wait3A_123, %dma_wait3A_124] : memref<2x16x96x128xi32, #tpu.memory_space<hbm>> -> memref<1x1x48x128xi32, #tpu.memory_space<hbm>>
      %dma_wait3A_126 = tpu.memref_squeeze %dma_wait3A_125 : memref<1x1x48x128xi32, #tpu.memory_space<hbm>> -> memref<48x128xi32, #tpu.memory_space<hbm>>
      tpu.wait_dma2 semaphore(%run_scoped3A : memref<!tpu.dma_semaphore, #tpu.memory_space<semaphore_mem>>) src(%dma_wait3A_126 : memref<48x128xi32, #tpu.memory_space<hbm>>) dst(%arg8 : memref<48x128xi32, #tpu.memory_space<vmem>>)
      tpu.yield
    }) : () -> ()
    %sub3A = arith.constant 0 : i32
    %sub3A_3 = arith.subi %select_n3A, %sub3A : i32
    %jit3A_4 = arith.constant 0 : i32
    %jit3A_5 = arith.constant 48 : i32
    %max3A = arith.maxsi %jit3A_4, %sub3A_3 : i32
    %min3A = arith.minsi %jit3A_5, %max3A : i32
    %jit3A_6 = arith.constant 2 : i32
    %div3A = arith.divsi %min3A, %jit3A_6 : i32
    %sign3A = arith.constant 0 : i32
    %sign3A_7 = arith.cmpi sgt, %min3A, %sign3A : i32
    %sign3A_8 = arith.extui %sign3A_7 : i1 to i32
    %sign3A_9 = arith.constant 0 : i32
    %sign3A_10 = arith.cmpi slt, %min3A, %sign3A_9 : i32
    %sign3A_11 = arith.extui %sign3A_10 : i1 to i32
    %sign3A_12 = arith.subi %sign3A_8, %sign3A_11 : i32
    %sign3A_13 = arith.constant 0 : i32
    %sign3A_14 = arith.cmpi sgt, %jit3A_6, %sign3A_13 : i32
    %sign3A_15 = arith.extui %sign3A_14 : i1 to i32
    %sign3A_16 = arith.constant 0 : i32
    %sign3A_17 = arith.cmpi slt, %jit3A_6, %sign3A_16 : i32
    %sign3A_18 = arith.extui %sign3A_17 : i1 to i32
    %sign3A_19 = arith.subi %sign3A_15, %sign3A_18 : i32
    %ne3A = arith.cmpi ne, %sign3A_12, %sign3A_19 : i32
    %rem3A = arith.remsi %min3A, %jit3A_6 : i32
    %ne3A_20 = arith.constant 0 : i32
    %ne3A_21 = arith.cmpi ne, %rem3A, %ne3A_20 : i32
    %and3A = arith.andi %ne3A, %ne3A_21 : i1
    %sub3A_22 = arith.constant 1 : i32
    %sub3A_23 = arith.subi %div3A, %sub3A_22 : i32
    %select_n3A_24 = arith.select %and3A, %sub3A_23, %div3A : i32
    %while3A = arith.constant 0 : i32
    %while3A_25 = arith.constant 0 : i32
    %while3A_26 = arith.subi %select_n3A_24, %while3A_25 : i32
    %while3A_27 = arith.addi %while3A_25, %while3A_26 : i32
    %while3A_28 = arith.constant 1 : i32
    %while3A_29 = arith.divsi %while3A_26, %while3A_28 : i32
    %while3A_30 = arith.muli %while3A_29, %while3A_28 : i32
    %while3A_31 = arith.addi %while3A_25, %while3A_30 : i32
    %while3A_32 = arith.constant 1 : i32
    scf.for %while3A_113 = %while3A_25 to %while3A_31 step %while3A_32  : i32 {
      %mul3A_114 = arith.constant 2 : i32
      %mul3A_115 = arith.muli %while3A_113, %mul3A_114 : i32
      %add3A_116 = arith.constant 0 : i32
      %add3A_117 = arith.addi %mul3A_115, %add3A_116 : i32
      %dma_start3A = arith.constant 0 : i32
      %dma_start3A_118 = tpu.memref_slice %arg7[%add3A_117, %dma_start3A] : memref<48x128xi32, #tpu.memory_space<vmem>> -> memref<1x128xi32, #tpu.memory_space<vmem>>
      %dma_start3A_119 = tpu.memref_squeeze %dma_start3A_118 : memref<1x128xi32, #tpu.memory_space<vmem>> -> memref<128xi32, #tpu.memory_space<vmem>>
      %dma_start3A_120 = arith.constant 0 : i32
      %dma_start3A_121 = arith.constant 0 : i32
      %dma_start3A_122 = tpu.memref_slice %arg2[%dma_start3A_120, %dma_start3A_121] : memref<10112x128xf32, #tpu.memory_space<hbm>> -> memref<10112x128xf32, #tpu.memory_space<hbm>>
      tpu.enqueue_indirect_dma source(%dma_start3A_122 : memref<10112x128xf32, #tpu.memory_space<hbm>>) target(%arg9 : memref<128x128xf32, #tpu.memory_space<vmem>>) offsets(%dma_start3A_119 : memref<128xi32, #tpu.memory_space<vmem>>) semaphore(%arg12 : memref<!tpu.dma_semaphore, #tpu.memory_space<semaphore_mem>>)
      %dma_wait3A = arith.constant 0 : i32
      %dma_wait3A_123 = tpu.memref_slice %arg7[%add3A_117, %dma_wait3A] : memref<48x128xi32, #tpu.memory_space<vmem>> -> memref<1x128xi32, #tpu.memory_space<vmem>>
      %dma_wait3A_124 = tpu.memref_squeeze %dma_wait3A_123 : memref<1x128xi32, #tpu.memory_space<vmem>> -> memref<128xi32, #tpu.memory_space<vmem>>
      %dma_wait3A_125 = arith.constant 0 : i32
      %dma_wait3A_126 = arith.constant 0 : i32
      %dma_wait3A_127 = tpu.memref_slice %arg2[%dma_wait3A_125, %dma_wait3A_126] : memref<10112x128xf32, #tpu.memory_space<hbm>> -> memref<10112x128xf32, #tpu.memory_space<hbm>>
      tpu.wait_indirect_dma semaphore(%arg12 : memref<!tpu.dma_semaphore, #tpu.memory_space<semaphore_mem>>) src(%dma_wait3A_127 : memref<10112x128xf32, #tpu.memory_space<hbm>>) dst(%arg9 : memref<128x128xf32, #tpu.memory_space<vmem>>)
      %dma_start3A_128 = arith.constant 0 : i32
      %dma_start3A_129 = tpu.memref_slice %arg8[%add3A_117, %dma_start3A_128] : memref<48x128xi32, #tpu.memory_space<vmem>> -> memref<1x128xi32, #tpu.memory_space<vmem>>
      %dma_start3A_130 = tpu.memref_squeeze %dma_start3A_129 : memref<1x128xi32, #tpu.memory_space<vmem>> -> memref<128xi32, #tpu.memory_space<vmem>>
      %dma_start3A_131 = arith.constant 0 : i32
      %dma_start3A_132 = arith.constant 0 : i32
      %dma_start3A_133 = tpu.memref_slice %arg11[%dma_start3A_131, %dma_start3A_132] : memref<10112x128xf32, #tpu.memory_space<vmem_shared>> -> memref<10112x128xf32, #tpu.memory_space<vmem_shared>>
      tpu.enqueue_indirect_dma source(%arg9 : memref<128x128xf32, #tpu.memory_space<vmem>>) target(%dma_start3A_133 : memref<10112x128xf32, #tpu.memory_space<vmem_shared>>) offsets(%dma_start3A_130 : memref<128xi32, #tpu.memory_space<vmem>>) semaphore(%arg13 : memref<!tpu.dma_semaphore, #tpu.memory_space<semaphore_mem>>) {add = true}
      %mul3A_134 = arith.constant 2 : i32
      %mul3A_135 = arith.muli %while3A_113, %mul3A_134 : i32
      %add3A_136 = arith.constant 1 : i32
      %add3A_137 = arith.addi %mul3A_135, %add3A_136 : i32
      %dma_start3A_138 = arith.constant 0 : i32
      %dma_start3A_139 = tpu.memref_slice %arg7[%add3A_137, %dma_start3A_138] : memref<48x128xi32, #tpu.memory_space<vmem>> -> memref<1x128xi32, #tpu.memory_space<vmem>>
      %dma_start3A_140 = tpu.memref_squeeze %dma_start3A_139 : memref<1x128xi32, #tpu.memory_space<vmem>> -> memref<128xi32, #tpu.memory_space<vmem>>
      %dma_start3A_141 = arith.constant 0 : i32
      %dma_start3A_142 = arith.constant 0 : i32
      %dma_start3A_143 = tpu.memref_slice %arg2[%dma_start3A_141, %dma_start3A_142] : memref<10112x128xf32, #tpu.memory_space<hbm>> -> memref<10112x128xf32, #tpu.memory_space<hbm>>
      tpu.enqueue_indirect_dma source(%dma_start3A_143 : memref<10112x128xf32, #tpu.memory_space<hbm>>) target(%arg10 : memref<128x128xf32, #tpu.memory_space<vmem>>) offsets(%dma_start3A_140 : memref<128xi32, #tpu.memory_space<vmem>>) semaphore(%arg12 : memref<!tpu.dma_semaphore, #tpu.memory_space<semaphore_mem>>)
      %dma_wait3A_144 = arith.constant 0 : i32
      %dma_wait3A_145 = tpu.memref_slice %arg7[%add3A_137, %dma_wait3A_144] : memref<48x128xi32, #tpu.memory_space<vmem>> -> memref<1x128xi32, #tpu.memory_space<vmem>>
      %dma_wait3A_146 = tpu.memref_squeeze %dma_wait3A_145 : memref<1x128xi32, #tpu.memory_space<vmem>> -> memref<128xi32, #tpu.memory_space<vmem>>
      %dma_wait3A_147 = arith.constant 0 : i32
      %dma_wait3A_148 = arith.constant 0 : i32
      %dma_wait3A_149 = tpu.memref_slice %arg2[%dma_wait3A_147, %dma_wait3A_148] : memref<10112x128xf32, #tpu.memory_space<hbm>> -> memref<10112x128xf32, #tpu.memory_space<hbm>>
      tpu.wait_indirect_dma semaphore(%arg12 : memref<!tpu.dma_semaphore, #tpu.memory_space<semaphore_mem>>) src(%dma_wait3A_149 : memref<10112x128xf32, #tpu.memory_space<hbm>>) dst(%arg10 : memref<128x128xf32, #tpu.memory_space<vmem>>)
      %dma_start3A_150 = arith.constant 0 : i32
      %dma_start3A_151 = tpu.memref_slice %arg8[%add3A_137, %dma_start3A_150] : memref<48x128xi32, #tpu.memory_space<vmem>> -> memref<1x128xi32, #tpu.memory_space<vmem>>
      %dma_start3A_152 = tpu.memref_squeeze %dma_start3A_151 : memref<1x128xi32, #tpu.memory_space<vmem>> -> memref<128xi32, #tpu.memory_space<vmem>>
      %dma_start3A_153 = arith.constant 0 : i32
      %dma_start3A_154 = arith.constant 0 : i32
      %dma_start3A_155 = tpu.memref_slice %arg11[%dma_start3A_153, %dma_start3A_154] : memref<10112x128xf32, #tpu.memory_space<vmem_shared>> -> memref<10112x128xf32, #tpu.memory_space<vmem_shared>>
      tpu.enqueue_indirect_dma source(%arg10 : memref<128x128xf32, #tpu.memory_space<vmem>>) target(%dma_start3A_155 : memref<10112x128xf32, #tpu.memory_space<vmem_shared>>) offsets(%dma_start3A_152 : memref<128xi32, #tpu.memory_space<vmem>>) semaphore(%arg13 : memref<!tpu.dma_semaphore, #tpu.memory_space<semaphore_mem>>) {add = true}
      %dma_wait3A_156 = arith.constant 0 : i32
      %dma_wait3A_157 = tpu.memref_slice %arg8[%add3A_117, %dma_wait3A_156] : memref<48x128xi32, #tpu.memory_space<vmem>> -> memref<1x128xi32, #tpu.memory_space<vmem>>
      %dma_wait3A_158 = tpu.memref_squeeze %dma_wait3A_157 : memref<1x128xi32, #tpu.memory_space<vmem>> -> memref<128xi32, #tpu.memory_space<vmem>>
      %dma_wait3A_159 = arith.constant 0 : i32
      %dma_wait3A_160 = arith.constant 0 : i32
      %dma_wait3A_161 = tpu.memref_slice %arg11[%dma_wait3A_159, %dma_wait3A_160] : memref<10112x128xf32, #tpu.memory_space<vmem_shared>> -> memref<10112x128xf32, #tpu.memory_space<vmem_shared>>
      tpu.wait_indirect_dma semaphore(%arg13 : memref<!tpu.dma_semaphore, #tpu.memory_space<semaphore_mem>>) src(%arg9 : memref<128x128xf32, #tpu.memory_space<vmem>>) dst(%dma_wait3A_161 : memref<10112x128xf32, #tpu.memory_space<vmem_shared>>)
      %dma_wait3A_162 = arith.constant 0 : i32
      %dma_wait3A_163 = tpu.memref_slice %arg8[%add3A_137, %dma_wait3A_162] : memref<48x128xi32, #tpu.memory_space<vmem>> -> memref<1x128xi32, #tpu.memory_space<vmem>>
      %dma_wait3A_164 = tpu.memref_squeeze %dma_wait3A_163 : memref<1x128xi32, #tpu.memory_space<vmem>> -> memref<128xi32, #tpu.memory_space<vmem>>
      %dma_wait3A_165 = arith.constant 0 : i32
      %dma_wait3A_166 = arith.constant 0 : i32
      %dma_wait3A_167 = tpu.memref_slice %arg11[%dma_wait3A_165, %dma_wait3A_166] : memref<10112x128xf32, #tpu.memory_space<vmem_shared>> -> memref<10112x128xf32, #tpu.memory_space<vmem_shared>>
      tpu.wait_indirect_dma semaphore(%arg13 : memref<!tpu.dma_semaphore, #tpu.memory_space<semaphore_mem>>) src(%arg10 : memref<128x128xf32, #tpu.memory_space<vmem>>) dst(%dma_wait3A_167 : memref<10112x128xf32, #tpu.memory_space<vmem_shared>>)
    }
    %while3A_33 = arith.constant 1 : i32
    scf.for %while3A_113 = %while3A_31 to %while3A_27 step %while3A_33  : i32 {
      %mul3A_114 = arith.constant 2 : i32
      %mul3A_115 = arith.muli %while3A_113, %mul3A_114 : i32
      %add3A_116 = arith.constant 0 : i32
      %add3A_117 = arith.addi %mul3A_115, %add3A_116 : i32
      %dma_start3A = arith.constant 0 : i32
      %dma_start3A_118 = tpu.memref_slice %arg7[%add3A_117, %dma_start3A] : memref<48x128xi32, #tpu.memory_space<vmem>> -> memref<1x128xi32, #tpu.memory_space<vmem>>
      %dma_start3A_119 = tpu.memref_squeeze %dma_start3A_118 : memref<1x128xi32, #tpu.memory_space<vmem>> -> memref<128xi32, #tpu.memory_space<vmem>>
      %dma_start3A_120 = arith.constant 0 : i32
      %dma_start3A_121 = arith.constant 0 : i32
      %dma_start3A_122 = tpu.memref_slice %arg2[%dma_start3A_120, %dma_start3A_121] : memref<10112x128xf32, #tpu.memory_space<hbm>> -> memref<10112x128xf32, #tpu.memory_space<hbm>>
      tpu.enqueue_indirect_dma source(%dma_start3A_122 : memref<10112x128xf32, #tpu.memory_space<hbm>>) target(%arg9 : memref<128x128xf32, #tpu.memory_space<vmem>>) offsets(%dma_start3A_119 : memref<128xi32, #tpu.memory_space<vmem>>) semaphore(%arg12 : memref<!tpu.dma_semaphore, #tpu.memory_space<semaphore_mem>>)
      %dma_wait3A = arith.constant 0 : i32
      %dma_wait3A_123 = tpu.memref_slice %arg7[%add3A_117, %dma_wait3A] : memref<48x128xi32, #tpu.memory_space<vmem>> -> memref<1x128xi32, #tpu.memory_space<vmem>>
      %dma_wait3A_124 = tpu.memref_squeeze %dma_wait3A_123 : memref<1x128xi32, #tpu.memory_space<vmem>> -> memref<128xi32, #tpu.memory_space<vmem>>
      %dma_wait3A_125 = arith.constant 0 : i32
      %dma_wait3A_126 = arith.constant 0 : i32
      %dma_wait3A_127 = tpu.memref_slice %arg2[%dma_wait3A_125, %dma_wait3A_126] : memref<10112x128xf32, #tpu.memory_space<hbm>> -> memref<10112x128xf32, #tpu.memory_space<hbm>>
      tpu.wait_indirect_dma semaphore(%arg12 : memref<!tpu.dma_semaphore, #tpu.memory_space<semaphore_mem>>) src(%dma_wait3A_127 : memref<10112x128xf32, #tpu.memory_space<hbm>>) dst(%arg9 : memref<128x128xf32, #tpu.memory_space<vmem>>)
      %dma_start3A_128 = arith.constant 0 : i32
      %dma_start3A_129 = tpu.memref_slice %arg8[%add3A_117, %dma_start3A_128] : memref<48x128xi32, #tpu.memory_space<vmem>> -> memref<1x128xi32, #tpu.memory_space<vmem>>
      %dma_start3A_130 = tpu.memref_squeeze %dma_start3A_129 : memref<1x128xi32, #tpu.memory_space<vmem>> -> memref<128xi32, #tpu.memory_space<vmem>>
      %dma_start3A_131 = arith.constant 0 : i32
      %dma_start3A_132 = arith.constant 0 : i32
      %dma_start3A_133 = tpu.memref_slice %arg11[%dma_start3A_131, %dma_start3A_132] : memref<10112x128xf32, #tpu.memory_space<vmem_shared>> -> memref<10112x128xf32, #tpu.memory_space<vmem_shared>>
      tpu.enqueue_indirect_dma source(%arg9 : memref<128x128xf32, #tpu.memory_space<vmem>>) target(%dma_start3A_133 : memref<10112x128xf32, #tpu.memory_space<vmem_shared>>) offsets(%dma_start3A_130 : memref<128xi32, #tpu.memory_space<vmem>>) semaphore(%arg13 : memref<!tpu.dma_semaphore, #tpu.memory_space<semaphore_mem>>) {add = true}
      %mul3A_134 = arith.constant 2 : i32
      %mul3A_135 = arith.muli %while3A_113, %mul3A_134 : i32
      %add3A_136 = arith.constant 1 : i32
      %add3A_137 = arith.addi %mul3A_135, %add3A_136 : i32
      %dma_start3A_138 = arith.constant 0 : i32
      %dma_start3A_139 = tpu.memref_slice %arg7[%add3A_137, %dma_start3A_138] : memref<48x128xi32, #tpu.memory_space<vmem>> -> memref<1x128xi32, #tpu.memory_space<vmem>>
      %dma_start3A_140 = tpu.memref_squeeze %dma_start3A_139 : memref<1x128xi32, #tpu.memory_space<vmem>> -> memref<128xi32, #tpu.memory_space<vmem>>
      %dma_start3A_141 = arith.constant 0 : i32
      %dma_start3A_142 = arith.constant 0 : i32
      %dma_start3A_143 = tpu.memref_slice %arg2[%dma_start3A_141, %dma_start3A_142] : memref<10112x128xf32, #tpu.memory_space<hbm>> -> memref<10112x128xf32, #tpu.memory_space<hbm>>
      tpu.enqueue_indirect_dma source(%dma_start3A_143 : memref<10112x128xf32, #tpu.memory_space<hbm>>) target(%arg10 : memref<128x128xf32, #tpu.memory_space<vmem>>) offsets(%dma_start3A_140 : memref<128xi32, #tpu.memory_space<vmem>>) semaphore(%arg12 : memref<!tpu.dma_semaphore, #tpu.memory_space<semaphore_mem>>)
      %dma_wait3A_144 = arith.constant 0 : i32
      %dma_wait3A_145 = tpu.memref_slice %arg7[%add3A_137, %dma_wait3A_144] : memref<48x128xi32, #tpu.memory_space<vmem>> -> memref<1x128xi32, #tpu.memory_space<vmem>>
      %dma_wait3A_146 = tpu.memref_squeeze %dma_wait3A_145 : memref<1x128xi32, #tpu.memory_space<vmem>> -> memref<128xi32, #tpu.memory_space<vmem>>
      %dma_wait3A_147 = arith.constant 0 : i32
      %dma_wait3A_148 = arith.constant 0 : i32
      %dma_wait3A_149 = tpu.memref_slice %arg2[%dma_wait3A_147, %dma_wait3A_148] : memref<10112x128xf32, #tpu.memory_space<hbm>> -> memref<10112x128xf32, #tpu.memory_space<hbm>>
      tpu.wait_indirect_dma semaphore(%arg12 : memref<!tpu.dma_semaphore, #tpu.memory_space<semaphore_mem>>) src(%dma_wait3A_149 : memref<10112x128xf32, #tpu.memory_space<hbm>>) dst(%arg10 : memref<128x128xf32, #tpu.memory_space<vmem>>)
      %dma_start3A_150 = arith.constant 0 : i32
      %dma_start3A_151 = tpu.memref_slice %arg8[%add3A_137, %dma_start3A_150] : memref<48x128xi32, #tpu.memory_space<vmem>> -> memref<1x128xi32, #tpu.memory_space<vmem>>
      %dma_start3A_152 = tpu.memref_squeeze %dma_start3A_151 : memref<1x128xi32, #tpu.memory_space<vmem>> -> memref<128xi32, #tpu.memory_space<vmem>>
      %dma_start3A_153 = arith.constant 0 : i32
      %dma_start3A_154 = arith.constant 0 : i32
      %dma_start3A_155 = tpu.memref_slice %arg11[%dma_start3A_153, %dma_start3A_154] : memref<10112x128xf32, #tpu.memory_space<vmem_shared>> -> memref<10112x128xf32, #tpu.memory_space<vmem_shared>>
      tpu.enqueue_indirect_dma source(%arg10 : memref<128x128xf32, #tpu.memory_space<vmem>>) target(%dma_start3A_155 : memref<10112x128xf32, #tpu.memory_space<vmem_shared>>) offsets(%dma_start3A_152 : memref<128xi32, #tpu.memory_space<vmem>>) semaphore(%arg13 : memref<!tpu.dma_semaphore, #tpu.memory_space<semaphore_mem>>) {add = true}
      %dma_wait3A_156 = arith.constant 0 : i32
      %dma_wait3A_157 = tpu.memref_slice %arg8[%add3A_117, %dma_wait3A_156] : memref<48x128xi32, #tpu.memory_space<vmem>> -> memref<1x128xi32, #tpu.memory_space<vmem>>
      %dma_wait3A_158 = tpu.memref_squeeze %dma_wait3A_157 : memref<1x128xi32, #tpu.memory_space<vmem>> -> memref<128xi32, #tpu.memory_space<vmem>>
      %dma_wait3A_159 = arith.constant 0 : i32
      %dma_wait3A_160 = arith.constant 0 : i32
      %dma_wait3A_161 = tpu.memref_slice %arg11[%dma_wait3A_159, %dma_wait3A_160] : memref<10112x128xf32, #tpu.memory_space<vmem_shared>> -> memref<10112x128xf32, #tpu.memory_space<vmem_shared>>
      tpu.wait_indirect_dma semaphore(%arg13 : memref<!tpu.dma_semaphore, #tpu.memory_space<semaphore_mem>>) src(%arg9 : memref<128x128xf32, #tpu.memory_space<vmem>>) dst(%dma_wait3A_161 : memref<10112x128xf32, #tpu.memory_space<vmem_shared>>)
      %dma_wait3A_162 = arith.constant 0 : i32
      %dma_wait3A_163 = tpu.memref_slice %arg8[%add3A_137, %dma_wait3A_162] : memref<48x128xi32, #tpu.memory_space<vmem>> -> memref<1x128xi32, #tpu.memory_space<vmem>>
      %dma_wait3A_164 = tpu.memref_squeeze %dma_wait3A_163 : memref<1x128xi32, #tpu.memory_space<vmem>> -> memref<128xi32, #tpu.memory_space<vmem>>
      %dma_wait3A_165 = arith.constant 0 : i32
      %dma_wait3A_166 = arith.constant 0 : i32
      %dma_wait3A_167 = tpu.memref_slice %arg11[%dma_wait3A_165, %dma_wait3A_166] : memref<10112x128xf32, #tpu.memory_space<vmem_shared>> -> memref<10112x128xf32, #tpu.memory_space<vmem_shared>>
      tpu.wait_indirect_dma semaphore(%arg13 : memref<!tpu.dma_semaphore, #tpu.memory_space<semaphore_mem>>) src(%arg10 : memref<128x128xf32, #tpu.memory_space<vmem>>) dst(%dma_wait3A_167 : memref<10112x128xf32, #tpu.memory_space<vmem_shared>>)
    }
    %jit3A_34 = arith.constant 2 : i32
    %eq3A_35 = arith.constant 0 : i32
    %eq3A_36 = arith.cmpi eq, %jit3A_34, %eq3A_35 : i32
    %jit3A_37 = arith.constant 1 : i32
    %select_n3A_38 = arith.select %eq3A_36, %jit3A_37, %jit3A_34 : i32
    %rem3A_39 = arith.remsi %min3A, %select_n3A_38 : i32
    %ne3A_40 = arith.constant 0 : i32
    %ne3A_41 = arith.cmpi ne, %rem3A_39, %ne3A_40 : i32
    %lt3A = arith.constant 0 : i32
    %lt3A_42 = arith.cmpi slt, %rem3A_39, %lt3A : i32
    %lt3A_43 = arith.constant 0 : i32
    %lt3A_44 = arith.cmpi slt, %select_n3A_38, %lt3A_43 : i32
    %ne3A_45 = arith.xori %lt3A_42, %lt3A_44 : i1
    %and3A_46 = arith.andi %ne3A_45, %ne3A_41 : i1
    %add3A = arith.addi %rem3A_39, %select_n3A_38 : i32
    %select_n3A_47 = arith.select %and3A_46, %add3A, %rem3A_39 : i32
    %eq3A_48 = arith.constant 1 : i32
    %eq3A_49 = arith.cmpi eq, %select_n3A_47, %eq3A_48 : i32
    %convert_element_type3A = arith.extui %eq3A_49 : i1 to i32
    %cond3A = arith.constant 0 : i32
    %cond3A_50 = arith.cmpi ne, %convert_element_type3A, %cond3A : i32
    scf.if %cond3A_50 {
      %sub3A_113 = arith.constant 1 : i32
      %sub3A_114 = arith.subi %min3A, %sub3A_113 : i32
      %dma_start3A = arith.constant 0 : i32
      %dma_start3A_115 = tpu.memref_slice %arg7[%sub3A_114, %dma_start3A] : memref<48x128xi32, #tpu.memory_space<vmem>> -> memref<1x128xi32, #tpu.memory_space<vmem>>
      %dma_start3A_116 = tpu.memref_squeeze %dma_start3A_115 : memref<1x128xi32, #tpu.memory_space<vmem>> -> memref<128xi32, #tpu.memory_space<vmem>>
      %dma_start3A_117 = arith.constant 0 : i32
      %dma_start3A_118 = arith.constant 0 : i32
      %dma_start3A_119 = tpu.memref_slice %arg2[%dma_start3A_117, %dma_start3A_118] : memref<10112x128xf32, #tpu.memory_space<hbm>> -> memref<10112x128xf32, #tpu.memory_space<hbm>>
      tpu.enqueue_indirect_dma source(%dma_start3A_119 : memref<10112x128xf32, #tpu.memory_space<hbm>>) target(%arg9 : memref<128x128xf32, #tpu.memory_space<vmem>>) offsets(%dma_start3A_116 : memref<128xi32, #tpu.memory_space<vmem>>) semaphore(%arg12 : memref<!tpu.dma_semaphore, #tpu.memory_space<semaphore_mem>>)
      %dma_wait3A = arith.constant 0 : i32
      %dma_wait3A_120 = tpu.memref_slice %arg7[%sub3A_114, %dma_wait3A] : memref<48x128xi32, #tpu.memory_space<vmem>> -> memref<1x128xi32, #tpu.memory_space<vmem>>
      %dma_wait3A_121 = tpu.memref_squeeze %dma_wait3A_120 : memref<1x128xi32, #tpu.memory_space<vmem>> -> memref<128xi32, #tpu.memory_space<vmem>>
      %dma_wait3A_122 = arith.constant 0 : i32
      %dma_wait3A_123 = arith.constant 0 : i32
      %dma_wait3A_124 = tpu.memref_slice %arg2[%dma_wait3A_122, %dma_wait3A_123] : memref<10112x128xf32, #tpu.memory_space<hbm>> -> memref<10112x128xf32, #tpu.memory_space<hbm>>
      tpu.wait_indirect_dma semaphore(%arg12 : memref<!tpu.dma_semaphore, #tpu.memory_space<semaphore_mem>>) src(%dma_wait3A_124 : memref<10112x128xf32, #tpu.memory_space<hbm>>) dst(%arg9 : memref<128x128xf32, #tpu.memory_space<vmem>>)
      "tpu.region"() ({
        %run_scoped3A = tpu.sem_alloc : memref<!tpu.dma_semaphore, #tpu.memory_space<semaphore_mem>>
        %dma_start3A_125 = arith.constant 0 : i32
        %dma_start3A_126 = tpu.memref_slice %arg8[%sub3A_114, %dma_start3A_125] : memref<48x128xi32, #tpu.memory_space<vmem>> -> memref<1x128xi32, #tpu.memory_space<vmem>>
        %dma_start3A_127 = tpu.memref_squeeze %dma_start3A_126 : memref<1x128xi32, #tpu.memory_space<vmem>> -> memref<128xi32, #tpu.memory_space<vmem>>
        %dma_start3A_128 = arith.constant 0 : i32
        %dma_start3A_129 = arith.constant 0 : i32
        %dma_start3A_130 = tpu.memref_slice %arg11[%dma_start3A_128, %dma_start3A_129] : memref<10112x128xf32, #tpu.memory_space<vmem_shared>> -> memref<10112x128xf32, #tpu.memory_space<vmem_shared>>
        tpu.enqueue_indirect_dma source(%arg9 : memref<128x128xf32, #tpu.memory_space<vmem>>) target(%dma_start3A_130 : memref<10112x128xf32, #tpu.memory_space<vmem_shared>>) offsets(%dma_start3A_127 : memref<128xi32, #tpu.memory_space<vmem>>) semaphore(%run_scoped3A : memref<!tpu.dma_semaphore, #tpu.memory_space<semaphore_mem>>) {add = true}
        %dma_wait3A_131 = arith.constant 0 : i32
        %dma_wait3A_132 = tpu.memref_slice %arg8[%sub3A_114, %dma_wait3A_131] : memref<48x128xi32, #tpu.memory_space<vmem>> -> memref<1x128xi32, #tpu.memory_space<vmem>>
        %dma_wait3A_133 = tpu.memref_squeeze %dma_wait3A_132 : memref<1x128xi32, #tpu.memory_space<vmem>> -> memref<128xi32, #tpu.memory_space<vmem>>
        %dma_wait3A_134 = arith.constant 0 : i32
        %dma_wait3A_135 = arith.constant 0 : i32
        %dma_wait3A_136 = tpu.memref_slice %arg11[%dma_wait3A_134, %dma_wait3A_135] : memref<10112x128xf32, #tpu.memory_space<vmem_shared>> -> memref<10112x128xf32, #tpu.memory_space<vmem_shared>>
        tpu.wait_indirect_dma semaphore(%run_scoped3A : memref<!tpu.dma_semaphore, #tpu.memory_space<semaphore_mem>>) src(%arg9 : memref<128x128xf32, #tpu.memory_space<vmem>>) dst(%dma_wait3A_136 : memref<10112x128xf32, #tpu.memory_space<vmem_shared>>)
        tpu.yield
      }) : () -> ()
    } else {
    }
    "tpu.region"() ({
      %run_scoped3A = tpu.sem_alloc : memref<!tpu.dma_semaphore, #tpu.memory_space<semaphore_mem>>
      %dma_start3A = arith.constant 48 : i32
      %dma_start3A_113 = arith.constant 0 : i32
      %dma_start3A_114 = tpu.memref_slice %arg4[%arg0, %arg1, %dma_start3A, %dma_start3A_113] : memref<2x16x96x128xi32, #tpu.memory_space<hbm>> -> memref<1x1x48x128xi32, #tpu.memory_space<hbm>>
      %dma_start3A_115 = tpu.memref_squeeze %dma_start3A_114 : memref<1x1x48x128xi32, #tpu.memory_space<hbm>> -> memref<48x128xi32, #tpu.memory_space<hbm>>
      %dma_start3A_116 = arith.constant 48 : i32
      %dma_start3A_117 = arith.constant 0 : i32
      %dma_start3A_118 = tpu.memref_slice %arg4[%arg0, %arg1, %dma_start3A_116, %dma_start3A_117] : memref<2x16x96x128xi32, #tpu.memory_space<hbm>> -> memref<1x1x48x128xi32, #tpu.memory_space<hbm>>
      %dma_start3A_119 = tpu.memref_squeeze %dma_start3A_118 : memref<1x1x48x128xi32, #tpu.memory_space<hbm>> -> memref<48x128xi32, #tpu.memory_space<hbm>>
      tpu.enqueue_dma source(%dma_start3A_119 : memref<48x128xi32, #tpu.memory_space<hbm>>) target(%arg7 : memref<48x128xi32, #tpu.memory_space<vmem>>) target_semaphore(%run_scoped3A : memref<!tpu.dma_semaphore, #tpu.memory_space<semaphore_mem>>)
      %dma_wait3A = arith.constant 48 : i32
      %dma_wait3A_120 = arith.constant 0 : i32
      %dma_wait3A_121 = tpu.memref_slice %arg4[%arg0, %arg1, %dma_wait3A, %dma_wait3A_120] : memref<2x16x96x128xi32, #tpu.memory_space<hbm>> -> memref<1x1x48x128xi32, #tpu.memory_space<hbm>>
      %dma_wait3A_122 = tpu.memref_squeeze %dma_wait3A_121 : memref<1x1x48x128xi32, #tpu.memory_space<hbm>> -> memref<48x128xi32, #tpu.memory_space<hbm>>
      %dma_wait3A_123 = arith.constant 48 : i32
      %dma_wait3A_124 = arith.constant 0 : i32
      %dma_wait3A_125 = tpu.memref_slice %arg4[%arg0, %arg1, %dma_wait3A_123, %dma_wait3A_124] : memref<2x16x96x128xi32, #tpu.memory_space<hbm>> -> memref<1x1x48x128xi32, #tpu.memory_space<hbm>>
      %dma_wait3A_126 = tpu.memref_squeeze %dma_wait3A_125 : memref<1x1x48x128xi32, #tpu.memory_space<hbm>> -> memref<48x128xi32, #tpu.memory_space<hbm>>
      tpu.wait_dma2 semaphore(%run_scoped3A : memref<!tpu.dma_semaphore, #tpu.memory_space<semaphore_mem>>) src(%dma_wait3A_126 : memref<48x128xi32, #tpu.memory_space<hbm>>) dst(%arg7 : memref<48x128xi32, #tpu.memory_space<vmem>>)
      tpu.yield
    }) : () -> ()
    "tpu.region"() ({
      %run_scoped3A = tpu.sem_alloc : memref<!tpu.dma_semaphore, #tpu.memory_space<semaphore_mem>>
      %dma_start3A = arith.constant 48 : i32
      %dma_start3A_113 = arith.constant 0 : i32
      %dma_start3A_114 = tpu.memref_slice %arg5[%arg0, %arg1, %dma_start3A, %dma_start3A_113] : memref<2x16x96x128xi32, #tpu.memory_space<hbm>> -> memref<1x1x48x128xi32, #tpu.memory_space<hbm>>
      %dma_start3A_115 = tpu.memref_squeeze %dma_start3A_114 : memref<1x1x48x128xi32, #tpu.memory_space<hbm>> -> memref<48x128xi32, #tpu.memory_space<hbm>>
      %dma_start3A_116 = arith.constant 48 : i32
      %dma_start3A_117 = arith.constant 0 : i32
      %dma_start3A_118 = tpu.memref_slice %arg5[%arg0, %arg1, %dma_start3A_116, %dma_start3A_117] : memref<2x16x96x128xi32, #tpu.memory_space<hbm>> -> memref<1x1x48x128xi32, #tpu.memory_space<hbm>>
      %dma_start3A_119 = tpu.memref_squeeze %dma_start3A_118 : memref<1x1x48x128xi32, #tpu.memory_space<hbm>> -> memref<48x128xi32, #tpu.memory_space<hbm>>
      tpu.enqueue_dma source(%dma_start3A_119 : memref<48x128xi32, #tpu.memory_space<hbm>>) target(%arg8 : memref<48x128xi32, #tpu.memory_space<vmem>>) target_semaphore(%run_scoped3A : memref<!tpu.dma_semaphore, #tpu.memory_space<semaphore_mem>>)
      %dma_wait3A = arith.constant 48 : i32
      %dma_wait3A_120 = arith.constant 0 : i32
      %dma_wait3A_121 = tpu.memref_slice %arg5[%arg0, %arg1, %dma_wait3A, %dma_wait3A_120] : memref<2x16x96x128xi32, #tpu.memory_space<hbm>> -> memref<1x1x48x128xi32, #tpu.memory_space<hbm>>
      %dma_wait3A_122 = tpu.memref_squeeze %dma_wait3A_121 : memref<1x1x48x128xi32, #tpu.memory_space<hbm>> -> memref<48x128xi32, #tpu.memory_space<hbm>>
      %dma_wait3A_123 = arith.constant 48 : i32
      %dma_wait3A_124 = arith.constant 0 : i32
      %dma_wait3A_125 = tpu.memref_slice %arg5[%arg0, %arg1, %dma_wait3A_123, %dma_wait3A_124] : memref<2x16x96x128xi32, #tpu.memory_space<hbm>> -> memref<1x1x48x128xi32, #tpu.memory_space<hbm>>
      %dma_wait3A_126 = tpu.memref_squeeze %dma_wait3A_125 : memref<1x1x48x128xi32, #tpu.memory_space<hbm>> -> memref<48x128xi32, #tpu.memory_space<hbm>>
      tpu.wait_dma2 semaphore(%run_scoped3A : memref<!tpu.dma_semaphore, #tpu.memory_space<semaphore_mem>>) src(%dma_wait3A_126 : memref<48x128xi32, #tpu.memory_space<hbm>>) dst(%arg8 : memref<48x128xi32, #tpu.memory_space<vmem>>)
      tpu.yield
    }) : () -> ()
    %sub3A_51 = arith.constant 48 : i32
    %sub3A_52 = arith.subi %select_n3A, %sub3A_51 : i32
    %jit3A_53 = arith.constant 0 : i32
    %jit3A_54 = arith.constant 48 : i32
    %max3A_55 = arith.maxsi %jit3A_53, %sub3A_52 : i32
    %min3A_56 = arith.minsi %jit3A_54, %max3A_55 : i32
    %jit3A_57 = arith.constant 2 : i32
    %div3A_58 = arith.divsi %min3A_56, %jit3A_57 : i32
    %sign3A_59 = arith.constant 0 : i32
    %sign3A_60 = arith.cmpi sgt, %min3A_56, %sign3A_59 : i32
    %sign3A_61 = arith.extui %sign3A_60 : i1 to i32
    %sign3A_62 = arith.constant 0 : i32
    %sign3A_63 = arith.cmpi slt, %min3A_56, %sign3A_62 : i32
    %sign3A_64 = arith.extui %sign3A_63 : i1 to i32
    %sign3A_65 = arith.subi %sign3A_61, %sign3A_64 : i32
    %sign3A_66 = arith.constant 0 : i32
    %sign3A_67 = arith.cmpi sgt, %jit3A_57, %sign3A_66 : i32
    %sign3A_68 = arith.extui %sign3A_67 : i1 to i32
    %sign3A_69 = arith.constant 0 : i32
    %sign3A_70 = arith.cmpi slt, %jit3A_57, %sign3A_69 : i32
    %sign3A_71 = arith.extui %sign3A_70 : i1 to i32
    %sign3A_72 = arith.subi %sign3A_68, %sign3A_71 : i32
    %ne3A_73 = arith.cmpi ne, %sign3A_65, %sign3A_72 : i32
    %rem3A_74 = arith.remsi %min3A_56, %jit3A_57 : i32
    %ne3A_75 = arith.constant 0 : i32
    %ne3A_76 = arith.cmpi ne, %rem3A_74, %ne3A_75 : i32
    %and3A_77 = arith.andi %ne3A_73, %ne3A_76 : i1
    %sub3A_78 = arith.constant 1 : i32
    %sub3A_79 = arith.subi %div3A_58, %sub3A_78 : i32
    %select_n3A_80 = arith.select %and3A_77, %sub3A_79, %div3A_58 : i32
    %while3A_81 = arith.constant 0 : i32
    %while3A_82 = arith.constant 0 : i32
    %while3A_83 = arith.subi %select_n3A_80, %while3A_82 : i32
    %while3A_84 = arith.addi %while3A_82, %while3A_83 : i32
    %while3A_85 = arith.constant 1 : i32
    %while3A_86 = arith.divsi %while3A_83, %while3A_85 : i32
    %while3A_87 = arith.muli %while3A_86, %while3A_85 : i32
    %while3A_88 = arith.addi %while3A_82, %while3A_87 : i32
    %while3A_89 = arith.constant 1 : i32
    scf.for %while3A_113 = %while3A_82 to %while3A_88 step %while3A_89  : i32 {
      %mul3A_114 = arith.constant 2 : i32
      %mul3A_115 = arith.muli %while3A_113, %mul3A_114 : i32
      %add3A_116 = arith.constant 0 : i32
      %add3A_117 = arith.addi %mul3A_115, %add3A_116 : i32
      %dma_start3A = arith.constant 0 : i32
      %dma_start3A_118 = tpu.memref_slice %arg7[%add3A_117, %dma_start3A] : memref<48x128xi32, #tpu.memory_space<vmem>> -> memref<1x128xi32, #tpu.memory_space<vmem>>
      %dma_start3A_119 = tpu.memref_squeeze %dma_start3A_118 : memref<1x128xi32, #tpu.memory_space<vmem>> -> memref<128xi32, #tpu.memory_space<vmem>>
      %dma_start3A_120 = arith.constant 0 : i32
      %dma_start3A_121 = arith.constant 0 : i32
      %dma_start3A_122 = tpu.memref_slice %arg2[%dma_start3A_120, %dma_start3A_121] : memref<10112x128xf32, #tpu.memory_space<hbm>> -> memref<10112x128xf32, #tpu.memory_space<hbm>>
      tpu.enqueue_indirect_dma source(%dma_start3A_122 : memref<10112x128xf32, #tpu.memory_space<hbm>>) target(%arg9 : memref<128x128xf32, #tpu.memory_space<vmem>>) offsets(%dma_start3A_119 : memref<128xi32, #tpu.memory_space<vmem>>) semaphore(%arg12 : memref<!tpu.dma_semaphore, #tpu.memory_space<semaphore_mem>>)
      %dma_wait3A = arith.constant 0 : i32
      %dma_wait3A_123 = tpu.memref_slice %arg7[%add3A_117, %dma_wait3A] : memref<48x128xi32, #tpu.memory_space<vmem>> -> memref<1x128xi32, #tpu.memory_space<vmem>>
      %dma_wait3A_124 = tpu.memref_squeeze %dma_wait3A_123 : memref<1x128xi32, #tpu.memory_space<vmem>> -> memref<128xi32, #tpu.memory_space<vmem>>
      %dma_wait3A_125 = arith.constant 0 : i32
      %dma_wait3A_126 = arith.constant 0 : i32
      %dma_wait3A_127 = tpu.memref_slice %arg2[%dma_wait3A_125, %dma_wait3A_126] : memref<10112x128xf32, #tpu.memory_space<hbm>> -> memref<10112x128xf32, #tpu.memory_space<hbm>>
      tpu.wait_indirect_dma semaphore(%arg12 : memref<!tpu.dma_semaphore, #tpu.memory_space<semaphore_mem>>) src(%dma_wait3A_127 : memref<10112x128xf32, #tpu.memory_space<hbm>>) dst(%arg9 : memref<128x128xf32, #tpu.memory_space<vmem>>)
      %dma_start3A_128 = arith.constant 0 : i32
      %dma_start3A_129 = tpu.memref_slice %arg8[%add3A_117, %dma_start3A_128] : memref<48x128xi32, #tpu.memory_space<vmem>> -> memref<1x128xi32, #tpu.memory_space<vmem>>
      %dma_start3A_130 = tpu.memref_squeeze %dma_start3A_129 : memref<1x128xi32, #tpu.memory_space<vmem>> -> memref<128xi32, #tpu.memory_space<vmem>>
      %dma_start3A_131 = arith.constant 0 : i32
      %dma_start3A_132 = arith.constant 0 : i32
      %dma_start3A_133 = tpu.memref_slice %arg11[%dma_start3A_131, %dma_start3A_132] : memref<10112x128xf32, #tpu.memory_space<vmem_shared>> -> memref<10112x128xf32, #tpu.memory_space<vmem_shared>>
      tpu.enqueue_indirect_dma source(%arg9 : memref<128x128xf32, #tpu.memory_space<vmem>>) target(%dma_start3A_133 : memref<10112x128xf32, #tpu.memory_space<vmem_shared>>) offsets(%dma_start3A_130 : memref<128xi32, #tpu.memory_space<vmem>>) semaphore(%arg13 : memref<!tpu.dma_semaphore, #tpu.memory_space<semaphore_mem>>) {add = true}
      %mul3A_134 = arith.constant 2 : i32
      %mul3A_135 = arith.muli %while3A_113, %mul3A_134 : i32
      %add3A_136 = arith.constant 1 : i32
      %add3A_137 = arith.addi %mul3A_135, %add3A_136 : i32
      %dma_start3A_138 = arith.constant 0 : i32
      %dma_start3A_139 = tpu.memref_slice %arg7[%add3A_137, %dma_start3A_138] : memref<48x128xi32, #tpu.memory_space<vmem>> -> memref<1x128xi32, #tpu.memory_space<vmem>>
      %dma_start3A_140 = tpu.memref_squeeze %dma_start3A_139 : memref<1x128xi32, #tpu.memory_space<vmem>> -> memref<128xi32, #tpu.memory_space<vmem>>
      %dma_start3A_141 = arith.constant 0 : i32
      %dma_start3A_142 = arith.constant 0 : i32
      %dma_start3A_143 = tpu.memref_slice %arg2[%dma_start3A_141, %dma_start3A_142] : memref<10112x128xf32, #tpu.memory_space<hbm>> -> memref<10112x128xf32, #tpu.memory_space<hbm>>
      tpu.enqueue_indirect_dma source(%dma_start3A_143 : memref<10112x128xf32, #tpu.memory_space<hbm>>) target(%arg10 : memref<128x128xf32, #tpu.memory_space<vmem>>) offsets(%dma_start3A_140 : memref<128xi32, #tpu.memory_space<vmem>>) semaphore(%arg12 : memref<!tpu.dma_semaphore, #tpu.memory_space<semaphore_mem>>)
      %dma_wait3A_144 = arith.constant 0 : i32
      %dma_wait3A_145 = tpu.memref_slice %arg7[%add3A_137, %dma_wait3A_144] : memref<48x128xi32, #tpu.memory_space<vmem>> -> memref<1x128xi32, #tpu.memory_space<vmem>>
      %dma_wait3A_146 = tpu.memref_squeeze %dma_wait3A_145 : memref<1x128xi32, #tpu.memory_space<vmem>> -> memref<128xi32, #tpu.memory_space<vmem>>
      %dma_wait3A_147 = arith.constant 0 : i32
      %dma_wait3A_148 = arith.constant 0 : i32
      %dma_wait3A_149 = tpu.memref_slice %arg2[%dma_wait3A_147, %dma_wait3A_148] : memref<10112x128xf32, #tpu.memory_space<hbm>> -> memref<10112x128xf32, #tpu.memory_space<hbm>>
      tpu.wait_indirect_dma semaphore(%arg12 : memref<!tpu.dma_semaphore, #tpu.memory_space<semaphore_mem>>) src(%dma_wait3A_149 : memref<10112x128xf32, #tpu.memory_space<hbm>>) dst(%arg10 : memref<128x128xf32, #tpu.memory_space<vmem>>)
      %dma_start3A_150 = arith.constant 0 : i32
      %dma_start3A_151 = tpu.memref_slice %arg8[%add3A_137, %dma_start3A_150] : memref<48x128xi32, #tpu.memory_space<vmem>> -> memref<1x128xi32, #tpu.memory_space<vmem>>
      %dma_start3A_152 = tpu.memref_squeeze %dma_start3A_151 : memref<1x128xi32, #tpu.memory_space<vmem>> -> memref<128xi32, #tpu.memory_space<vmem>>
      %dma_start3A_153 = arith.constant 0 : i32
      %dma_start3A_154 = arith.constant 0 : i32
      %dma_start3A_155 = tpu.memref_slice %arg11[%dma_start3A_153, %dma_start3A_154] : memref<10112x128xf32, #tpu.memory_space<vmem_shared>> -> memref<10112x128xf32, #tpu.memory_space<vmem_shared>>
      tpu.enqueue_indirect_dma source(%arg10 : memref<128x128xf32, #tpu.memory_space<vmem>>) target(%dma_start3A_155 : memref<10112x128xf32, #tpu.memory_space<vmem_shared>>) offsets(%dma_start3A_152 : memref<128xi32, #tpu.memory_space<vmem>>) semaphore(%arg13 : memref<!tpu.dma_semaphore, #tpu.memory_space<semaphore_mem>>) {add = true}
      %dma_wait3A_156 = arith.constant 0 : i32
      %dma_wait3A_157 = tpu.memref_slice %arg8[%add3A_117, %dma_wait3A_156] : memref<48x128xi32, #tpu.memory_space<vmem>> -> memref<1x128xi32, #tpu.memory_space<vmem>>
      %dma_wait3A_158 = tpu.memref_squeeze %dma_wait3A_157 : memref<1x128xi32, #tpu.memory_space<vmem>> -> memref<128xi32, #tpu.memory_space<vmem>>
      %dma_wait3A_159 = arith.constant 0 : i32
      %dma_wait3A_160 = arith.constant 0 : i32
      %dma_wait3A_161 = tpu.memref_slice %arg11[%dma_wait3A_159, %dma_wait3A_160] : memref<10112x128xf32, #tpu.memory_space<vmem_shared>> -> memref<10112x128xf32, #tpu.memory_space<vmem_shared>>
      tpu.wait_indirect_dma semaphore(%arg13 : memref<!tpu.dma_semaphore, #tpu.memory_space<semaphore_mem>>) src(%arg9 : memref<128x128xf32, #tpu.memory_space<vmem>>) dst(%dma_wait3A_161 : memref<10112x128xf32, #tpu.memory_space<vmem_shared>>)
      %dma_wait3A_162 = arith.constant 0 : i32
      %dma_wait3A_163 = tpu.memref_slice %arg8[%add3A_137, %dma_wait3A_162] : memref<48x128xi32, #tpu.memory_space<vmem>> -> memref<1x128xi32, #tpu.memory_space<vmem>>
      %dma_wait3A_164 = tpu.memref_squeeze %dma_wait3A_163 : memref<1x128xi32, #tpu.memory_space<vmem>> -> memref<128xi32, #tpu.memory_space<vmem>>
      %dma_wait3A_165 = arith.constant 0 : i32
      %dma_wait3A_166 = arith.constant 0 : i32
      %dma_wait3A_167 = tpu.memref_slice %arg11[%dma_wait3A_165, %dma_wait3A_166] : memref<10112x128xf32, #tpu.memory_space<vmem_shared>> -> memref<10112x128xf32, #tpu.memory_space<vmem_shared>>
      tpu.wait_indirect_dma semaphore(%arg13 : memref<!tpu.dma_semaphore, #tpu.memory_space<semaphore_mem>>) src(%arg10 : memref<128x128xf32, #tpu.memory_space<vmem>>) dst(%dma_wait3A_167 : memref<10112x128xf32, #tpu.memory_space<vmem_shared>>)
    }
    %while3A_90 = arith.constant 1 : i32
    scf.for %while3A_113 = %while3A_88 to %while3A_84 step %while3A_90  : i32 {
      %mul3A_114 = arith.constant 2 : i32
      %mul3A_115 = arith.muli %while3A_113, %mul3A_114 : i32
      %add3A_116 = arith.constant 0 : i32
      %add3A_117 = arith.addi %mul3A_115, %add3A_116 : i32
      %dma_start3A = arith.constant 0 : i32
      %dma_start3A_118 = tpu.memref_slice %arg7[%add3A_117, %dma_start3A] : memref<48x128xi32, #tpu.memory_space<vmem>> -> memref<1x128xi32, #tpu.memory_space<vmem>>
      %dma_start3A_119 = tpu.memref_squeeze %dma_start3A_118 : memref<1x128xi32, #tpu.memory_space<vmem>> -> memref<128xi32, #tpu.memory_space<vmem>>
      %dma_start3A_120 = arith.constant 0 : i32
      %dma_start3A_121 = arith.constant 0 : i32
      %dma_start3A_122 = tpu.memref_slice %arg2[%dma_start3A_120, %dma_start3A_121] : memref<10112x128xf32, #tpu.memory_space<hbm>> -> memref<10112x128xf32, #tpu.memory_space<hbm>>
      tpu.enqueue_indirect_dma source(%dma_start3A_122 : memref<10112x128xf32, #tpu.memory_space<hbm>>) target(%arg9 : memref<128x128xf32, #tpu.memory_space<vmem>>) offsets(%dma_start3A_119 : memref<128xi32, #tpu.memory_space<vmem>>) semaphore(%arg12 : memref<!tpu.dma_semaphore, #tpu.memory_space<semaphore_mem>>)
      %dma_wait3A = arith.constant 0 : i32
      %dma_wait3A_123 = tpu.memref_slice %arg7[%add3A_117, %dma_wait3A] : memref<48x128xi32, #tpu.memory_space<vmem>> -> memref<1x128xi32, #tpu.memory_space<vmem>>
      %dma_wait3A_124 = tpu.memref_squeeze %dma_wait3A_123 : memref<1x128xi32, #tpu.memory_space<vmem>> -> memref<128xi32, #tpu.memory_space<vmem>>
      %dma_wait3A_125 = arith.constant 0 : i32
      %dma_wait3A_126 = arith.constant 0 : i32
      %dma_wait3A_127 = tpu.memref_slice %arg2[%dma_wait3A_125, %dma_wait3A_126] : memref<10112x128xf32, #tpu.memory_space<hbm>> -> memref<10112x128xf32, #tpu.memory_space<hbm>>
      tpu.wait_indirect_dma semaphore(%arg12 : memref<!tpu.dma_semaphore, #tpu.memory_space<semaphore_mem>>) src(%dma_wait3A_127 : memref<10112x128xf32, #tpu.memory_space<hbm>>) dst(%arg9 : memref<128x128xf32, #tpu.memory_space<vmem>>)
      %dma_start3A_128 = arith.constant 0 : i32
      %dma_start3A_129 = tpu.memref_slice %arg8[%add3A_117, %dma_start3A_128] : memref<48x128xi32, #tpu.memory_space<vmem>> -> memref<1x128xi32, #tpu.memory_space<vmem>>
      %dma_start3A_130 = tpu.memref_squeeze %dma_start3A_129 : memref<1x128xi32, #tpu.memory_space<vmem>> -> memref<128xi32, #tpu.memory_space<vmem>>
      %dma_start3A_131 = arith.constant 0 : i32
      %dma_start3A_132 = arith.constant 0 : i32
      %dma_start3A_133 = tpu.memref_slice %arg11[%dma_start3A_131, %dma_start3A_132] : memref<10112x128xf32, #tpu.memory_space<vmem_shared>> -> memref<10112x128xf32, #tpu.memory_space<vmem_shared>>
      tpu.enqueue_indirect_dma source(%arg9 : memref<128x128xf32, #tpu.memory_space<vmem>>) target(%dma_start3A_133 : memref<10112x128xf32, #tpu.memory_space<vmem_shared>>) offsets(%dma_start3A_130 : memref<128xi32, #tpu.memory_space<vmem>>) semaphore(%arg13 : memref<!tpu.dma_semaphore, #tpu.memory_space<semaphore_mem>>) {add = true}
      %mul3A_134 = arith.constant 2 : i32
      %mul3A_135 = arith.muli %while3A_113, %mul3A_134 : i32
      %add3A_136 = arith.constant 1 : i32
      %add3A_137 = arith.addi %mul3A_135, %add3A_136 : i32
      %dma_start3A_138 = arith.constant 0 : i32
      %dma_start3A_139 = tpu.memref_slice %arg7[%add3A_137, %dma_start3A_138] : memref<48x128xi32, #tpu.memory_space<vmem>> -> memref<1x128xi32, #tpu.memory_space<vmem>>
      %dma_start3A_140 = tpu.memref_squeeze %dma_start3A_139 : memref<1x128xi32, #tpu.memory_space<vmem>> -> memref<128xi32, #tpu.memory_space<vmem>>
      %dma_start3A_141 = arith.constant 0 : i32
      %dma_start3A_142 = arith.constant 0 : i32
      %dma_start3A_143 = tpu.memref_slice %arg2[%dma_start3A_141, %dma_start3A_142] : memref<10112x128xf32, #tpu.memory_space<hbm>> -> memref<10112x128xf32, #tpu.memory_space<hbm>>
      tpu.enqueue_indirect_dma source(%dma_start3A_143 : memref<10112x128xf32, #tpu.memory_space<hbm>>) target(%arg10 : memref<128x128xf32, #tpu.memory_space<vmem>>) offsets(%dma_start3A_140 : memref<128xi32, #tpu.memory_space<vmem>>) semaphore(%arg12 : memref<!tpu.dma_semaphore, #tpu.memory_space<semaphore_mem>>)
      %dma_wait3A_144 = arith.constant 0 : i32
      %dma_wait3A_145 = tpu.memref_slice %arg7[%add3A_137, %dma_wait3A_144] : memref<48x128xi32, #tpu.memory_space<vmem>> -> memref<1x128xi32, #tpu.memory_space<vmem>>
      %dma_wait3A_146 = tpu.memref_squeeze %dma_wait3A_145 : memref<1x128xi32, #tpu.memory_space<vmem>> -> memref<128xi32, #tpu.memory_space<vmem>>
      %dma_wait3A_147 = arith.constant 0 : i32
      %dma_wait3A_148 = arith.constant 0 : i32
      %dma_wait3A_149 = tpu.memref_slice %arg2[%dma_wait3A_147, %dma_wait3A_148] : memref<10112x128xf32, #tpu.memory_space<hbm>> -> memref<10112x128xf32, #tpu.memory_space<hbm>>
      tpu.wait_indirect_dma semaphore(%arg12 : memref<!tpu.dma_semaphore, #tpu.memory_space<semaphore_mem>>) src(%dma_wait3A_149 : memref<10112x128xf32, #tpu.memory_space<hbm>>) dst(%arg10 : memref<128x128xf32, #tpu.memory_space<vmem>>)
      %dma_start3A_150 = arith.constant 0 : i32
      %dma_start3A_151 = tpu.memref_slice %arg8[%add3A_137, %dma_start3A_150] : memref<48x128xi32, #tpu.memory_space<vmem>> -> memref<1x128xi32, #tpu.memory_space<vmem>>
      %dma_start3A_152 = tpu.memref_squeeze %dma_start3A_151 : memref<1x128xi32, #tpu.memory_space<vmem>> -> memref<128xi32, #tpu.memory_space<vmem>>
      %dma_start3A_153 = arith.constant 0 : i32
      %dma_start3A_154 = arith.constant 0 : i32
      %dma_start3A_155 = tpu.memref_slice %arg11[%dma_start3A_153, %dma_start3A_154] : memref<10112x128xf32, #tpu.memory_space<vmem_shared>> -> memref<10112x128xf32, #tpu.memory_space<vmem_shared>>
      tpu.enqueue_indirect_dma source(%arg10 : memref<128x128xf32, #tpu.memory_space<vmem>>) target(%dma_start3A_155 : memref<10112x128xf32, #tpu.memory_space<vmem_shared>>) offsets(%dma_start3A_152 : memref<128xi32, #tpu.memory_space<vmem>>) semaphore(%arg13 : memref<!tpu.dma_semaphore, #tpu.memory_space<semaphore_mem>>) {add = true}
      %dma_wait3A_156 = arith.constant 0 : i32
      %dma_wait3A_157 = tpu.memref_slice %arg8[%add3A_117, %dma_wait3A_156] : memref<48x128xi32, #tpu.memory_space<vmem>> -> memref<1x128xi32, #tpu.memory_space<vmem>>
      %dma_wait3A_158 = tpu.memref_squeeze %dma_wait3A_157 : memref<1x128xi32, #tpu.memory_space<vmem>> -> memref<128xi32, #tpu.memory_space<vmem>>
      %dma_wait3A_159 = arith.constant 0 : i32
      %dma_wait3A_160 = arith.constant 0 : i32
      %dma_wait3A_161 = tpu.memref_slice %arg11[%dma_wait3A_159, %dma_wait3A_160] : memref<10112x128xf32, #tpu.memory_space<vmem_shared>> -> memref<10112x128xf32, #tpu.memory_space<vmem_shared>>
      tpu.wait_indirect_dma semaphore(%arg13 : memref<!tpu.dma_semaphore, #tpu.memory_space<semaphore_mem>>) src(%arg9 : memref<128x128xf32, #tpu.memory_space<vmem>>) dst(%dma_wait3A_161 : memref<10112x128xf32, #tpu.memory_space<vmem_shared>>)
      %dma_wait3A_162 = arith.constant 0 : i32
      %dma_wait3A_163 = tpu.memref_slice %arg8[%add3A_137, %dma_wait3A_162] : memref<48x128xi32, #tpu.memory_space<vmem>> -> memref<1x128xi32, #tpu.memory_space<vmem>>
      %dma_wait3A_164 = tpu.memref_squeeze %dma_wait3A_163 : memref<1x128xi32, #tpu.memory_space<vmem>> -> memref<128xi32, #tpu.memory_space<vmem>>
      %dma_wait3A_165 = arith.constant 0 : i32
      %dma_wait3A_166 = arith.constant 0 : i32
      %dma_wait3A_167 = tpu.memref_slice %arg11[%dma_wait3A_165, %dma_wait3A_166] : memref<10112x128xf32, #tpu.memory_space<vmem_shared>> -> memref<10112x128xf32, #tpu.memory_space<vmem_shared>>
      tpu.wait_indirect_dma semaphore(%arg13 : memref<!tpu.dma_semaphore, #tpu.memory_space<semaphore_mem>>) src(%arg10 : memref<128x128xf32, #tpu.memory_space<vmem>>) dst(%dma_wait3A_167 : memref<10112x128xf32, #tpu.memory_space<vmem_shared>>)
    }
    %jit3A_91 = arith.constant 2 : i32
    %eq3A_92 = arith.constant 0 : i32
    %eq3A_93 = arith.cmpi eq, %jit3A_91, %eq3A_92 : i32
    %jit3A_94 = arith.constant 1 : i32
    %select_n3A_95 = arith.select %eq3A_93, %jit3A_94, %jit3A_91 : i32
    %rem3A_96 = arith.remsi %min3A_56, %select_n3A_95 : i32
    %ne3A_97 = arith.constant 0 : i32
    %ne3A_98 = arith.cmpi ne, %rem3A_96, %ne3A_97 : i32
    %lt3A_99 = arith.constant 0 : i32
    %lt3A_100 = arith.cmpi slt, %rem3A_96, %lt3A_99 : i32
    %lt3A_101 = arith.constant 0 : i32
    %lt3A_102 = arith.cmpi slt, %select_n3A_95, %lt3A_101 : i32
    %ne3A_103 = arith.xori %lt3A_100, %lt3A_102 : i1
    %and3A_104 = arith.andi %ne3A_103, %ne3A_98 : i1
    %add3A_105 = arith.addi %rem3A_96, %select_n3A_95 : i32
    %select_n3A_106 = arith.select %and3A_104, %add3A_105, %rem3A_96 : i32
    %eq3A_107 = arith.constant 1 : i32
    %eq3A_108 = arith.cmpi eq, %select_n3A_106, %eq3A_107 : i32
    %convert_element_type3A_109 = arith.extui %eq3A_108 : i1 to i32
    %cond3A_110 = arith.constant 0 : i32
    %cond3A_111 = arith.cmpi ne, %convert_element_type3A_109, %cond3A_110 : i32
    scf.if %cond3A_111 {
      %sub3A_113 = arith.constant 1 : i32
      %sub3A_114 = arith.subi %min3A_56, %sub3A_113 : i32
      %dma_start3A = arith.constant 0 : i32
      %dma_start3A_115 = tpu.memref_slice %arg7[%sub3A_114, %dma_start3A] : memref<48x128xi32, #tpu.memory_space<vmem>> -> memref<1x128xi32, #tpu.memory_space<vmem>>
      %dma_start3A_116 = tpu.memref_squeeze %dma_start3A_115 : memref<1x128xi32, #tpu.memory_space<vmem>> -> memref<128xi32, #tpu.memory_space<vmem>>
      %dma_start3A_117 = arith.constant 0 : i32
      %dma_start3A_118 = arith.constant 0 : i32
      %dma_start3A_119 = tpu.memref_slice %arg2[%dma_start3A_117, %dma_start3A_118] : memref<10112x128xf32, #tpu.memory_space<hbm>> -> memref<10112x128xf32, #tpu.memory_space<hbm>>
      tpu.enqueue_indirect_dma source(%dma_start3A_119 : memref<10112x128xf32, #tpu.memory_space<hbm>>) target(%arg9 : memref<128x128xf32, #tpu.memory_space<vmem>>) offsets(%dma_start3A_116 : memref<128xi32, #tpu.memory_space<vmem>>) semaphore(%arg12 : memref<!tpu.dma_semaphore, #tpu.memory_space<semaphore_mem>>)
      %dma_wait3A = arith.constant 0 : i32
      %dma_wait3A_120 = tpu.memref_slice %arg7[%sub3A_114, %dma_wait3A] : memref<48x128xi32, #tpu.memory_space<vmem>> -> memref<1x128xi32, #tpu.memory_space<vmem>>
      %dma_wait3A_121 = tpu.memref_squeeze %dma_wait3A_120 : memref<1x128xi32, #tpu.memory_space<vmem>> -> memref<128xi32, #tpu.memory_space<vmem>>
      %dma_wait3A_122 = arith.constant 0 : i32
      %dma_wait3A_123 = arith.constant 0 : i32
      %dma_wait3A_124 = tpu.memref_slice %arg2[%dma_wait3A_122, %dma_wait3A_123] : memref<10112x128xf32, #tpu.memory_space<hbm>> -> memref<10112x128xf32, #tpu.memory_space<hbm>>
      tpu.wait_indirect_dma semaphore(%arg12 : memref<!tpu.dma_semaphore, #tpu.memory_space<semaphore_mem>>) src(%dma_wait3A_124 : memref<10112x128xf32, #tpu.memory_space<hbm>>) dst(%arg9 : memref<128x128xf32, #tpu.memory_space<vmem>>)
      "tpu.region"() ({
        %run_scoped3A = tpu.sem_alloc : memref<!tpu.dma_semaphore, #tpu.memory_space<semaphore_mem>>
        %dma_start3A_125 = arith.constant 0 : i32
        %dma_start3A_126 = tpu.memref_slice %arg8[%sub3A_114, %dma_start3A_125] : memref<48x128xi32, #tpu.memory_space<vmem>> -> memref<1x128xi32, #tpu.memory_space<vmem>>
        %dma_start3A_127 = tpu.memref_squeeze %dma_start3A_126 : memref<1x128xi32, #tpu.memory_space<vmem>> -> memref<128xi32, #tpu.memory_space<vmem>>
        %dma_start3A_128 = arith.constant 0 : i32
        %dma_start3A_129 = arith.constant 0 : i32
        %dma_start3A_130 = tpu.memref_slice %arg11[%dma_start3A_128, %dma_start3A_129] : memref<10112x128xf32, #tpu.memory_space<vmem_shared>> -> memref<10112x128xf32, #tpu.memory_space<vmem_shared>>
        tpu.enqueue_indirect_dma source(%arg9 : memref<128x128xf32, #tpu.memory_space<vmem>>) target(%dma_start3A_130 : memref<10112x128xf32, #tpu.memory_space<vmem_shared>>) offsets(%dma_start3A_127 : memref<128xi32, #tpu.memory_space<vmem>>) semaphore(%run_scoped3A : memref<!tpu.dma_semaphore, #tpu.memory_space<semaphore_mem>>) {add = true}
        %dma_wait3A_131 = arith.constant 0 : i32
        %dma_wait3A_132 = tpu.memref_slice %arg8[%sub3A_114, %dma_wait3A_131] : memref<48x128xi32, #tpu.memory_space<vmem>> -> memref<1x128xi32, #tpu.memory_space<vmem>>
        %dma_wait3A_133 = tpu.memref_squeeze %dma_wait3A_132 : memref<1x128xi32, #tpu.memory_space<vmem>> -> memref<128xi32, #tpu.memory_space<vmem>>
        %dma_wait3A_134 = arith.constant 0 : i32
        %dma_wait3A_135 = arith.constant 0 : i32
        %dma_wait3A_136 = tpu.memref_slice %arg11[%dma_wait3A_134, %dma_wait3A_135] : memref<10112x128xf32, #tpu.memory_space<vmem_shared>> -> memref<10112x128xf32, #tpu.memory_space<vmem_shared>>
        tpu.wait_indirect_dma semaphore(%run_scoped3A : memref<!tpu.dma_semaphore, #tpu.memory_space<semaphore_mem>>) src(%arg9 : memref<128x128xf32, #tpu.memory_space<vmem>>) dst(%dma_wait3A_136 : memref<10112x128xf32, #tpu.memory_space<vmem_shared>>)
        tpu.yield
      }) : () -> ()
    } else {
    }
    %barrier3A_112 = arith.constant 0 : index
    tpu.barrier barrier_id(%barrier3A_112)
    "tpu.region"() ({
      %run_scoped3A = tpu.sem_alloc : memref<!tpu.dma_semaphore, #tpu.memory_space<semaphore_mem>>
      %dma_start3A = arith.constant 0 : i32
      %dma_start3A_113 = tpu.memref_slice %arg6[%arg0, %mul3A_0, %dma_start3A] : memref<2x10112x128xf32, #tpu.memory_space<hbm>> -> memref<1x632x128xf32, #tpu.memory_space<hbm>>
      %dma_start3A_114 = tpu.memref_squeeze %dma_start3A_113 : memref<1x632x128xf32, #tpu.memory_space<hbm>> -> memref<632x128xf32, #tpu.memory_space<hbm>>
      %dma_start3A_115 = arith.constant 0 : i32
      %dma_start3A_116 = tpu.memref_slice %arg11[%mul3A_0, %dma_start3A_115] : memref<10112x128xf32, #tpu.memory_space<vmem_shared>> -> memref<632x128xf32, #tpu.memory_space<vmem_shared>>
      tpu.enqueue_dma source(%dma_start3A_116 : memref<632x128xf32, #tpu.memory_space<vmem_shared>>) target(%dma_start3A_114 : memref<632x128xf32, #tpu.memory_space<hbm>>) target_semaphore(%run_scoped3A : memref<!tpu.dma_semaphore, #tpu.memory_space<semaphore_mem>>)
      %dma_wait3A = arith.constant 0 : i32
      %dma_wait3A_117 = tpu.memref_slice %arg6[%arg0, %mul3A_0, %dma_wait3A] : memref<2x10112x128xf32, #tpu.memory_space<hbm>> -> memref<1x632x128xf32, #tpu.memory_space<hbm>>
      %dma_wait3A_118 = tpu.memref_squeeze %dma_wait3A_117 : memref<1x632x128xf32, #tpu.memory_space<hbm>> -> memref<632x128xf32, #tpu.memory_space<hbm>>
      %dma_wait3A_119 = arith.constant 0 : i32
      %dma_wait3A_120 = tpu.memref_slice %arg11[%mul3A_0, %dma_wait3A_119] : memref<10112x128xf32, #tpu.memory_space<vmem_shared>> -> memref<632x128xf32, #tpu.memory_space<vmem_shared>>
      tpu.wait_dma2 semaphore(%run_scoped3A : memref<!tpu.dma_semaphore, #tpu.memory_space<semaphore_mem>>) src(%dma_wait3A_120 : memref<632x128xf32, #tpu.memory_space<vmem_shared>>) dst(%dma_wait3A_118 : memref<632x128xf32, #tpu.memory_space<hbm>>)
      tpu.yield
    }) : () -> ()
    return
  }
}

module attributes {stable_mosaic.version = 14 : i64} {
  func.func @_l1_body(%arg0: i32, %arg1: memref<2x2000x128xf32, #tpu.memory_space<vmem>>, %arg2: memref<2000x128xf32, #tpu.memory_space<vmem>>, %arg3: memref<128x128xf32, #tpu.memory_space<vmem>>, %arg4: memref<128x128xf32, #tpu.memory_space<vmem>>, %arg5: memref<1x128xf32, #tpu.memory_space<vmem>>, %arg6: memref<2000x128xf32, #tpu.memory_space<vmem>>) attributes {dimension_semantics = [#tpu.dimension_semantics<arbitrary>], iteration_bounds = array<i64: 5>, scalar_prefetch = 0 : i64, scratch_operands = 0 : i64, tpu.core_type = #tpu.core_type<tc>, window_params = [{transform_indices = @transform_0, window_bounds = array<i64: 2, 2000, 128>}, {transform_indices = @transform_1, window_bounds = array<i64: 2000, 128>}, {pipeline_mode = #tpu.pipeline_mode<synchronous>, transform_indices = @transform_2, window_bounds = array<i64: 128, 128>}, {pipeline_mode = #tpu.pipeline_mode<synchronous>, transform_indices = @transform_3, window_bounds = array<i64: 128, 128>}, {pipeline_mode = #tpu.pipeline_mode<synchronous>, transform_indices = @transform_4, window_bounds = array<i64: 1, 128>}, {transform_indices = @transform_5, window_bounds = array<i64: 2000, 128>}]} {
    %get3A = arith.constant 0 : index
    %get3A_0 = arith.constant 0 : index
    %get3A_1 = arith.constant 0 : index
    %get3A_2 = vector.load %arg1[%get3A, %get3A_0, %get3A_1] : memref<2x2000x128xf32, #tpu.memory_space<vmem>>, vector<1x2000x128xf32>
    %get3A_3 = vector.shape_cast %get3A_2 : vector<1x2000x128xf32> to vector<2000x128xf32>
    %get3A_4 = arith.constant 1 : index
    %get3A_5 = arith.constant 0 : index
    %get3A_6 = arith.constant 0 : index
    %get3A_7 = vector.load %arg1[%get3A_4, %get3A_5, %get3A_6] : memref<2x2000x128xf32, #tpu.memory_space<vmem>>, vector<1x2000x128xf32>
    %get3A_8 = vector.shape_cast %get3A_7 : vector<1x2000x128xf32> to vector<2000x128xf32>
    %add3A = arith.addf %get3A_3, %get3A_8 : vector<2000x128xf32>
    %get3A_9 = arith.constant 0 : index
    %get3A_10 = arith.constant 0 : index
    %get3A_11 = vector.load %arg2[%get3A_9, %get3A_10] : memref<2000x128xf32, #tpu.memory_space<vmem>>, vector<2000x128xf32>
    %get3A_12 = arith.constant 0 : index
    %get3A_13 = arith.constant 0 : index
    %get3A_14 = vector.load %arg3[%get3A_12, %get3A_13] : memref<128x128xf32, #tpu.memory_space<vmem>>, vector<128x128xf32>
    %dot_general3A = arith.constant dense<0.000000e+00> : vector<2000x128xf32>
    %dot_general3A_15 = tpu.matmul %get3A_11, %get3A_14, %dot_general3A {dimension_numbers = #tpu.dot_dimension_numbers<[1], [0], [0], [1], [0, 0, 1, 1], [], []>, transpose_lhs_hint = false} : vector<2000x128xf32>, vector<128x128xf32>, vector<2000x128xf32> -> vector<2000x128xf32>
    %get3A_16 = arith.constant 0 : index
    %get3A_17 = arith.constant 0 : index
    %get3A_18 = vector.load %arg4[%get3A_16, %get3A_17] : memref<128x128xf32, #tpu.memory_space<vmem>>, vector<128x128xf32>
    %dot_general3A_19 = arith.constant dense<0.000000e+00> : vector<2000x128xf32>
    %dot_general3A_20 = tpu.matmul %add3A, %get3A_18, %dot_general3A_19 {dimension_numbers = #tpu.dot_dimension_numbers<[1], [0], [0], [1], [0, 0, 1, 1], [], []>, transpose_lhs_hint = false} : vector<2000x128xf32>, vector<128x128xf32>, vector<2000x128xf32> -> vector<2000x128xf32>
    %add3A_21 = arith.addf %dot_general3A_15, %dot_general3A_20 : vector<2000x128xf32>
    %get3A_22 = arith.constant 0 : index
    %get3A_23 = arith.constant 0 : index
    %get3A_24 = vector.load %arg5[%get3A_22, %get3A_23] : memref<1x128xf32, #tpu.memory_space<vmem>>, vector<1x128xf32>
    %add3A_25 = vector.broadcast %get3A_24 : vector<1x128xf32> to vector<2000x128xf32>
    %add3A_26 = arith.addf %add3A_21, %add3A_25 : vector<2000x128xf32>
    %max3A = arith.constant 0.000000e+00 : f32
    %max3A_27 = vector.broadcast %max3A : f32 to vector<2000x128xf32>
    %max3A_28 = arith.maximumf %add3A_26, %max3A_27 : vector<2000x128xf32>
    %swap3A = arith.constant 0 : index
    %swap3A_29 = arith.constant 0 : index
    %swap3A_30 = vector.load %arg6[%swap3A, %swap3A_29] : memref<2000x128xf32, #tpu.memory_space<vmem>>, vector<2000x128xf32>
    tpu.vector_store %arg6[%swap3A, %swap3A_29], %max3A_28 {strides = array<i32>} : memref<2000x128xf32, #tpu.memory_space<vmem>>, vector<2000x128xf32>,
    return
  }
  func.func @transform_0(%arg0: i32) -> (i32, i32, i32) {
    %c0_i32 = arith.constant 0 : i32
    %c0_i32_0 = arith.constant 0 : i32
    %c0_i32_1 = arith.constant 0 : i32
    return %c0_i32, %arg0, %c0_i32_0 : i32, i32, i32
  }
  func.func @transform_1(%arg0: i32) -> (i32, i32) {
    %c0_i32 = arith.constant 0 : i32
    %c0_i32_0 = arith.constant 0 : i32
    return %arg0, %c0_i32 : i32, i32
  }
  func.func @transform_2(%arg0: i32) -> (i32, i32) {
    %c0_i32 = arith.constant 0 : i32
    %c0_i32_0 = arith.constant 0 : i32
    %c0_i32_1 = arith.constant 0 : i32
    return %c0_i32, %c0_i32_0 : i32, i32
  }
  func.func @transform_3(%arg0: i32) -> (i32, i32) {
    %c0_i32 = arith.constant 0 : i32
    %c0_i32_0 = arith.constant 0 : i32
    %c0_i32_1 = arith.constant 0 : i32
    return %c0_i32, %c0_i32_0 : i32, i32
  }
  func.func @transform_4(%arg0: i32) -> (i32, i32) {
    %c0_i32 = arith.constant 0 : i32
    %c0_i32_0 = arith.constant 0 : i32
    %c0_i32_1 = arith.constant 0 : i32
    return %c0_i32, %c0_i32_0 : i32, i32
  }
  func.func @transform_5(%arg0: i32) -> (i32, i32) {
    %c0_i32 = arith.constant 0 : i32
    %c0_i32_0 = arith.constant 0 : i32
    return %arg0, %c0_i32 : i32, i32
  }
}

module attributes {stable_mosaic.version = 14 : i64} {
  func.func @_l2_body(%arg0: i32, %arg1: memref<2x2000x128xf32, #tpu.memory_space<vmem>>, %arg2: memref<2000x128xf32, #tpu.memory_space<vmem>>, %arg3: memref<128x128xf32, #tpu.memory_space<vmem>>, %arg4: memref<128x128xf32, #tpu.memory_space<vmem>>, %arg5: memref<1x128xf32, #tpu.memory_space<vmem>>, %arg6: memref<2000x1xi32, #tpu.memory_space<vmem>>, %arg7: memref<2000x128xf32, #tpu.memory_space<vmem>>, %arg8: memref<8x128xf32, #tpu.memory_space<vmem>>, %arg9: memref<8x128xf32, #tpu.memory_space<vmem>>) attributes {dimension_semantics = [#tpu.dimension_semantics<arbitrary>], iteration_bounds = array<i64: 5>, scalar_prefetch = 0 : i64, scratch_operands = 0 : i64, tpu.core_type = #tpu.core_type<tc>, window_params = [{transform_indices = @transform_0, window_bounds = array<i64: 2, 2000, 128>}, {transform_indices = @transform_1, window_bounds = array<i64: 2000, 128>}, {pipeline_mode = #tpu.pipeline_mode<synchronous>, transform_indices = @transform_2, window_bounds = array<i64: 128, 128>}, {pipeline_mode = #tpu.pipeline_mode<synchronous>, transform_indices = @transform_3, window_bounds = array<i64: 128, 128>}, {pipeline_mode = #tpu.pipeline_mode<synchronous>, transform_indices = @transform_4, window_bounds = array<i64: 1, 128>}, {transform_indices = @transform_5, window_bounds = array<i64: 2000, 1>}, {transform_indices = @transform_6, window_bounds = array<i64: 2000, 128>}, {pipeline_mode = #tpu.pipeline_mode<synchronous>, transform_indices = @transform_7, window_bounds = array<i64: 8, 128>}, {pipeline_mode = #tpu.pipeline_mode<synchronous>, transform_indices = @transform_8, window_bounds = array<i64: 8, 128>}]} {
    %get3A = arith.constant 0 : index
    %get3A_0 = arith.constant 0 : index
    %get3A_1 = arith.constant 0 : index
    %get3A_2 = vector.load %arg1[%get3A, %get3A_0, %get3A_1] : memref<2x2000x128xf32, #tpu.memory_space<vmem>>, vector<1x2000x128xf32>
    %get3A_3 = vector.shape_cast %get3A_2 : vector<1x2000x128xf32> to vector<2000x128xf32>
    %get3A_4 = arith.constant 1 : index
    %get3A_5 = arith.constant 0 : index
    %get3A_6 = arith.constant 0 : index
    %get3A_7 = vector.load %arg1[%get3A_4, %get3A_5, %get3A_6] : memref<2x2000x128xf32, #tpu.memory_space<vmem>>, vector<1x2000x128xf32>
    %get3A_8 = vector.shape_cast %get3A_7 : vector<1x2000x128xf32> to vector<2000x128xf32>
    %add3A = arith.addf %get3A_3, %get3A_8 : vector<2000x128xf32>
    %get3A_9 = arith.constant 0 : index
    %get3A_10 = arith.constant 0 : index
    %get3A_11 = vector.load %arg2[%get3A_9, %get3A_10] : memref<2000x128xf32, #tpu.memory_space<vmem>>, vector<2000x128xf32>
    %get3A_12 = arith.constant 0 : index
    %get3A_13 = arith.constant 0 : index
    %get3A_14 = vector.load %arg3[%get3A_12, %get3A_13] : memref<128x128xf32, #tpu.memory_space<vmem>>, vector<128x128xf32>
    %dot_general3A = arith.constant dense<0.000000e+00> : vector<2000x128xf32>
    %dot_general3A_15 = tpu.matmul %get3A_11, %get3A_14, %dot_general3A {dimension_numbers = #tpu.dot_dimension_numbers<[1], [0], [0], [1], [0, 0, 1, 1], [], []>, transpose_lhs_hint = false} : vector<2000x128xf32>, vector<128x128xf32>, vector<2000x128xf32> -> vector<2000x128xf32>
    %get3A_16 = arith.constant 0 : index
    %get3A_17 = arith.constant 0 : index
    %get3A_18 = vector.load %arg4[%get3A_16, %get3A_17] : memref<128x128xf32, #tpu.memory_space<vmem>>, vector<128x128xf32>
    %dot_general3A_19 = arith.constant dense<0.000000e+00> : vector<2000x128xf32>
    %dot_general3A_20 = tpu.matmul %add3A, %get3A_18, %dot_general3A_19 {dimension_numbers = #tpu.dot_dimension_numbers<[1], [0], [0], [1], [0, 0, 1, 1], [], []>, transpose_lhs_hint = false} : vector<2000x128xf32>, vector<128x128xf32>, vector<2000x128xf32> -> vector<2000x128xf32>
    %add3A_21 = arith.addf %dot_general3A_15, %dot_general3A_20 : vector<2000x128xf32>
    %get3A_22 = arith.constant 0 : index
    %get3A_23 = arith.constant 0 : index
    %get3A_24 = vector.load %arg5[%get3A_22, %get3A_23] : memref<1x128xf32, #tpu.memory_space<vmem>>, vector<1x128xf32>
    %add3A_25 = vector.broadcast %get3A_24 : vector<1x128xf32> to vector<2000x128xf32>
    %add3A_26 = arith.addf %add3A_21, %add3A_25 : vector<2000x128xf32>
    %swap3A = arith.constant 0 : index
    %swap3A_27 = arith.constant 0 : index
    %swap3A_28 = vector.load %arg7[%swap3A, %swap3A_27] : memref<2000x128xf32, #tpu.memory_space<vmem>>, vector<2000x128xf32>
    tpu.vector_store %arg7[%swap3A, %swap3A_27], %add3A_26 {strides = array<i32>} : memref<2000x128xf32, #tpu.memory_space<vmem>>, vector<2000x128xf32>,
    %iota3A = tpu.iota {dimensions = array<i32: 1>} : vector<2000x8xi32>
    %get3A_29 = arith.constant 0 : index
    %get3A_30 = arith.constant 0 : index
    %get3A_31 = vector.load %arg6[%get3A_29, %get3A_30] : memref<2000x1xi32, #tpu.memory_space<vmem>>, vector<2000x1xi32>
    %eq3A = vector.broadcast %get3A_31 : vector<2000x1xi32> to vector<2000x8xi32>
    %eq3A_32 = arith.cmpi eq, %eq3A, %iota3A : vector<2000x8xi32>
    %convert_element_type3A = arith.extui %eq3A_32 : vector<2000x8xi1> to vector<2000x8xi32>
    %convert_element_type3A_33 = arith.sitofp %convert_element_type3A : vector<2000x8xi32> to vector<2000x8xf32>
    %dot_general3A_34 = arith.constant dense<0.000000e+00> : vector<8x128xf32>
    %dot_general3A_35 = tpu.matmul %convert_element_type3A_33, %add3A_26, %dot_general3A_34 {dimension_numbers = #tpu.dot_dimension_numbers<[0], [0], [1], [1], [0, 1, 1, 1], [], []>, transpose_lhs_hint = false} : vector<2000x8xf32>, vector<2000x128xf32>, vector<8x128xf32> -> vector<8x128xf32>
    %broadcast_in_dim3A = arith.constant 1.000000e+00 : f32
    %broadcast_in_dim3A_36 = vector.broadcast %broadcast_in_dim3A : f32 to vector<2000x128xf32>
    %dot_general3A_37 = arith.constant dense<0.000000e+00> : vector<8x128xf32>
    %dot_general3A_38 = tpu.matmul %convert_element_type3A_33, %broadcast_in_dim3A_36, %dot_general3A_37 {dimension_numbers = #tpu.dot_dimension_numbers<[0], [0], [1], [1], [0, 1, 1, 1], [], []>, transpose_lhs_hint = false} : vector<2000x8xf32>, vector<2000x128xf32>, vector<8x128xf32> -> vector<8x128xf32>
    %eq3A_39 = arith.constant 0 : i32
    %eq3A_40 = arith.cmpi eq, %arg0, %eq3A_39 : i32
    %convert_element_type3A_41 = arith.extui %eq3A_40 : i1 to i32
    %cond3A = arith.constant 0 : i32
    %cond3A_42 = arith.cmpi ne, %convert_element_type3A_41, %cond3A : i32
    scf.if %cond3A_42 {
      %broadcast_in_dim3A_57 = arith.constant 0.000000e+00 : f32
      %broadcast_in_dim3A_58 = vector.broadcast %broadcast_in_dim3A_57 : f32 to vector<8x128xf32>
      %swap3A_59 = arith.constant 0 : index
      %swap3A_60 = arith.constant 0 : index
      %swap3A_61 = vector.load %arg8[%swap3A_59, %swap3A_60] : memref<8x128xf32, #tpu.memory_space<vmem>>, vector<8x128xf32>
      tpu.vector_store %arg8[%swap3A_59, %swap3A_60], %broadcast_in_dim3A_58 {strides = array<i32>} : memref<8x128xf32, #tpu.memory_space<vmem>>, vector<8x128xf32>,
      %broadcast_in_dim3A_62 = arith.constant 0.000000e+00 : f32
      %broadcast_in_dim3A_63 = vector.broadcast %broadcast_in_dim3A_62 : f32 to vector<8x128xf32>
      %swap3A_64 = arith.constant 0 : index
      %swap3A_65 = arith.constant 0 : index
      %swap3A_66 = vector.load %arg9[%swap3A_64, %swap3A_65] : memref<8x128xf32, #tpu.memory_space<vmem>>, vector<8x128xf32>
      tpu.vector_store %arg9[%swap3A_64, %swap3A_65], %broadcast_in_dim3A_63 {strides = array<i32>} : memref<8x128xf32, #tpu.memory_space<vmem>>, vector<8x128xf32>,
    } else {
    }
    %get3A_43 = arith.constant 0 : index
    %get3A_44 = arith.constant 0 : index
    %get3A_45 = vector.load %arg8[%get3A_43, %get3A_44] : memref<8x128xf32, #tpu.memory_space<vmem>>, vector<8x128xf32>
    %add3A_46 = arith.addf %get3A_45, %dot_general3A_35 : vector<8x128xf32>
    %swap3A_47 = arith.constant 0 : index
    %swap3A_48 = arith.constant 0 : index
    %swap3A_49 = vector.load %arg8[%swap3A_47, %swap3A_48] : memref<8x128xf32, #tpu.memory_space<vmem>>, vector<8x128xf32>
    tpu.vector_store %arg8[%swap3A_47, %swap3A_48], %add3A_46 {strides = array<i32>} : memref<8x128xf32, #tpu.memory_space<vmem>>, vector<8x128xf32>,
    %get3A_50 = arith.constant 0 : index
    %get3A_51 = arith.constant 0 : index
    %get3A_52 = vector.load %arg9[%get3A_50, %get3A_51] : memref<8x128xf32, #tpu.memory_space<vmem>>, vector<8x128xf32>
    %add3A_53 = arith.addf %get3A_52, %dot_general3A_38 : vector<8x128xf32>
    %swap3A_54 = arith.constant 0 : index
    %swap3A_55 = arith.constant 0 : index
    %swap3A_56 = vector.load %arg9[%swap3A_54, %swap3A_55] : memref<8x128xf32, #tpu.memory_space<vmem>>, vector<8x128xf32>
    tpu.vector_store %arg9[%swap3A_54, %swap3A_55], %add3A_53 {strides = array<i32>} : memref<8x128xf32, #tpu.memory_space<vmem>>, vector<8x128xf32>,
    return
  }
  func.func @transform_0(%arg0: i32) -> (i32, i32, i32) {
    %c0_i32 = arith.constant 0 : i32
    %c0_i32_0 = arith.constant 0 : i32
    %c0_i32_1 = arith.constant 0 : i32
    return %c0_i32, %arg0, %c0_i32_0 : i32, i32, i32
  }
  func.func @transform_1(%arg0: i32) -> (i32, i32) {
    %c0_i32 = arith.constant 0 : i32
    %c0_i32_0 = arith.constant 0 : i32
    return %arg0, %c0_i32 : i32, i32
  }
  func.func @transform_2(%arg0: i32) -> (i32, i32) {
    %c0_i32 = arith.constant 0 : i32
    %c0_i32_0 = arith.constant 0 : i32
    %c0_i32_1 = arith.constant 0 : i32
    return %c0_i32, %c0_i32_0 : i32, i32
  }
  func.func @transform_3(%arg0: i32) -> (i32, i32) {
    %c0_i32 = arith.constant 0 : i32
    %c0_i32_0 = arith.constant 0 : i32
    %c0_i32_1 = arith.constant 0 : i32
    return %c0_i32, %c0_i32_0 : i32, i32
  }
  func.func @transform_4(%arg0: i32) -> (i32, i32) {
    %c0_i32 = arith.constant 0 : i32
    %c0_i32_0 = arith.constant 0 : i32
    %c0_i32_1 = arith.constant 0 : i32
    return %c0_i32, %c0_i32_0 : i32, i32
  }
  func.func @transform_5(%arg0: i32) -> (i32, i32) {
    %c0_i32 = arith.constant 0 : i32
    %c0_i32_0 = arith.constant 0 : i32
    return %arg0, %c0_i32 : i32, i32
  }
  func.func @transform_6(%arg0: i32) -> (i32, i32) {
    %c0_i32 = arith.constant 0 : i32
    %c0_i32_0 = arith.constant 0 : i32
    return %arg0, %c0_i32 : i32, i32
  }
  func.func @transform_7(%arg0: i32) -> (i32, i32) {
    %c0_i32 = arith.constant 0 : i32
    %c0_i32_0 = arith.constant 0 : i32
    %c0_i32_1 = arith.constant 0 : i32
    return %c0_i32, %c0_i32_0 : i32, i32
  }
  func.func @transform_8(%arg0: i32) -> (i32, i32) {
    %c0_i32 = arith.constant 0 : i32
    %c0_i32_0 = arith.constant 0 : i32
    %c0_i32_1 = arith.constant 0 : i32
    return %c0_i32, %c0_i32_0 : i32, i32
  }
}

module attributes {stable_mosaic.version = 14 : i64} {
  func.func @_rf_body(%arg0: i32, %arg1: memref<2000x128xf32, #tpu.memory_space<vmem>>, %arg2: memref<2000x1xi32, #tpu.memory_space<vmem>>, %arg3: memref<8x128xf32, #tpu.memory_space<vmem>>, %arg4: memref<8x128xf32, #tpu.memory_space<vmem>>, %arg5: memref<2000x128xf32, #tpu.memory_space<vmem>>) attributes {dimension_semantics = [#tpu.dimension_semantics<arbitrary>], iteration_bounds = array<i64: 5>, scalar_prefetch = 0 : i64, scratch_operands = 0 : i64, tpu.core_type = #tpu.core_type<tc>, window_params = [{transform_indices = @transform_0, window_bounds = array<i64: 2000, 128>}, {transform_indices = @transform_1, window_bounds = array<i64: 2000, 1>}, {pipeline_mode = #tpu.pipeline_mode<synchronous>, transform_indices = @transform_2, window_bounds = array<i64: 8, 128>}, {pipeline_mode = #tpu.pipeline_mode<synchronous>, transform_indices = @transform_3, window_bounds = array<i64: 8, 128>}, {transform_indices = @transform_4, window_bounds = array<i64: 2000, 128>}]} {
    %get3A = arith.constant 0 : index
    %get3A_0 = arith.constant 0 : index
    %get3A_1 = vector.load %arg3[%get3A, %get3A_0] : memref<8x128xf32, #tpu.memory_space<vmem>>, vector<8x128xf32>
    %get3A_2 = arith.constant 0 : index
    %get3A_3 = arith.constant 0 : index
    %get3A_4 = vector.load %arg4[%get3A_2, %get3A_3] : memref<8x128xf32, #tpu.memory_space<vmem>>, vector<8x128xf32>
    %max3A = arith.constant 1.000000e+00 : f32
    %max3A_5 = vector.broadcast %max3A : f32 to vector<8x128xf32>
    %max3A_6 = arith.maximumf %get3A_4, %max3A_5 : vector<8x128xf32>
    %div3A = arith.divf %get3A_1, %max3A_6 : vector<8x128xf32>
    %iota3A = tpu.iota {dimensions = array<i32: 1>} : vector<2000x8xi32>
    %get3A_7 = arith.constant 0 : index
    %get3A_8 = arith.constant 0 : index
    %get3A_9 = vector.load %arg2[%get3A_7, %get3A_8] : memref<2000x1xi32, #tpu.memory_space<vmem>>, vector<2000x1xi32>
    %eq3A = vector.broadcast %get3A_9 : vector<2000x1xi32> to vector<2000x8xi32>
    %eq3A_10 = arith.cmpi eq, %eq3A, %iota3A : vector<2000x8xi32>
    %convert_element_type3A = arith.extui %eq3A_10 : vector<2000x8xi1> to vector<2000x8xi32>
    %convert_element_type3A_11 = arith.sitofp %convert_element_type3A : vector<2000x8xi32> to vector<2000x8xf32>
    %get3A_12 = arith.constant 0 : index
    %get3A_13 = arith.constant 0 : index
    %get3A_14 = vector.load %arg1[%get3A_12, %get3A_13] : memref<2000x128xf32, #tpu.memory_space<vmem>>, vector<2000x128xf32>
    %dot_general3A = arith.constant dense<0.000000e+00> : vector<2000x128xf32>
    %dot_general3A_15 = tpu.matmul %convert_element_type3A_11, %div3A, %dot_general3A {dimension_numbers = #tpu.dot_dimension_numbers<[1], [0], [0], [1], [0, 0, 1, 1], [], []>, transpose_lhs_hint = false} : vector<2000x8xf32>, vector<8x128xf32>, vector<2000x128xf32> -> vector<2000x128xf32>
    %add3A = arith.addf %get3A_14, %dot_general3A_15 : vector<2000x128xf32>
    %swap3A = arith.constant 0 : index
    %swap3A_16 = arith.constant 0 : index
    %swap3A_17 = vector.load %arg5[%swap3A, %swap3A_16] : memref<2000x128xf32, #tpu.memory_space<vmem>>, vector<2000x128xf32>
    tpu.vector_store %arg5[%swap3A, %swap3A_16], %add3A {strides = array<i32>} : memref<2000x128xf32, #tpu.memory_space<vmem>>, vector<2000x128xf32>,
    return
  }
  func.func @transform_0(%arg0: i32) -> (i32, i32) {
    %c0_i32 = arith.constant 0 : i32
    %c0_i32_0 = arith.constant 0 : i32
    return %arg0, %c0_i32 : i32, i32
  }
  func.func @transform_1(%arg0: i32) -> (i32, i32) {
    %c0_i32 = arith.constant 0 : i32
    %c0_i32_0 = arith.constant 0 : i32
    return %arg0, %c0_i32 : i32, i32
  }
  func.func @transform_2(%arg0: i32) -> (i32, i32) {
    %c0_i32 = arith.constant 0 : i32
    %c0_i32_0 = arith.constant 0 : i32
    %c0_i32_1 = arith.constant 0 : i32
    return %c0_i32, %c0_i32_0 : i32, i32
  }
  func.func @transform_3(%arg0: i32) -> (i32, i32) {
    %c0_i32 = arith.constant 0 : i32
    %c0_i32_0 = arith.constant 0 : i32
    %c0_i32_1 = arith.constant 0 : i32
    return %c0_i32, %c0_i32_0 : i32, i32
  }
  func.func @transform_4(%arg0: i32) -> (i32, i32) {
    %c0_i32 = arith.constant 0 : i32
    %c0_i32_0 = arith.constant 0 : i32
    return %arg0, %c0_i32 : i32, i32
  }
}

</mosaic_0001>

<sc_bundles>
// kernel: kernel.10.cloned.1.call-start
scs
__scs_entry_jumppad:
0x0: {  	(pc) =	sbr.rel $0x88, $3  }
0x1: {  	(tag) =	ssettag $0x0;
	lr =	simm.s32 $0x1  }
0x2: {  	[smem:$0x3F98] =	sst lr;
	_ =	strace $0xD0000000  }
0x3: {  	_ = 	snop  }
0x4: {  	_ = 	snop  }
0x5: {  	_ = 	snop  }
0x6: {  	_ = 	snop  }
0x7: {  	_ = 	snop  }
__scs_overlays_trampoline_lowered:
0x8: {  	[smem:$0x3FA7] =	sst s0  }
0x9: {  	[smem:$0x3FA8] =	sst s1  }
0xa: {  	[smem:$0x3FA9] =	sst s2  }
0xb: {  	[smem:$0x3FAA] =	sst s3  }
0xc: {  	[smem:$0x3FAB] =	sst s4  }
0xd: {  	[smem:$0x3FAC] =	sst s5  }
0xe: {  	[smem:$0x3FAD] =	sst s6  }
0xf: {  	[smem:$0x3FAE] =	sst s7  }
0x10: {  	[smem:$0x3FAF] =	sst s8  }
0x11: {  	[smem:$0x3FB0] =	sst s9;
	s0 =	simm.s32 @!p0 $0x0  }
0x12: {  	s1 =	sld [smem:$0x3F96];
	s0 =	simm.s32 @p0 $0x1  }
0x13: {  	[smem:$0x3FB1] =	sst s0;
	s0 =	simm.s32 @!p1 $0x0  }
0x14: {  	s2 =	sld [smem:$0x3F95];
	s0 =	simm.s32 @p1 $0x1  }
0x15: {  	[smem:$0x3FB2] =	sst s0;
	s0 =	simm.s32 @!p2 $0x0  }
0x16: {  	s3 =	sld [smem:$0x3FDB];
	s0 =	simm.s32 @p2 $0x1  }
0x17: {  	s4 =	simm.s32 $0x1BF5;
	[smem:$0x3FB4] =	sst s0  }
0x18: {  	s0 =	sld [smem:$0x3F97];
	_ =	swait.ge [sflag:s4], $0x0  }
0x19: {  	s7 =	sld [smem:$0x3F98]  }
0x1a: {  	s8 =	sadd.s32 $0xFFFFE003, lr  }
0x1b: {  	s9 =	sadd.s32 $0xFFFFFEF7, lr;
	s5 =	simm.s32 $0xFFFFFFFF;
	p2 =	slt.u32 s8, $0xFFFFF086  }
0x1c: {  	p1 =	slt.u32 s9, $0xF7A;
	s5 =	simm.s32 @!p2 $0x0  }
0x1d: {  	s5 =	simm.s32 @p1 $0x1;
	p0 =	seq.s32 s7, s2  }
0x1e: {  	s7 =	smul.u32 @!p0 $0xF7A, s2;
	p2 =	seq.s32 @!p0 s5, $0x0  }
0x1f: {  	s9 =	smul.u32 $0xF7A, s1;
	s8 =	simm.s32 @!p0 $0x1BF5;
	p2 =	por !p2, p0  }
0x20: {  	[sflag:s8] =	ssyncset.s32 @!p0 $0xFFFFF086;
	s6 =	sadd.s32 @!p0 s3, s7;
	s7 =	simm.s32 @!p0 $0x108  }
0x21: {  	s3 =	sadd.s32 s3, s9;
	s6 =	sadd.s32 @!p0 $0x88, s6;
	s7 =	simm.s32 @p2 $0x1082  }
0x22: {  	[simem:s7], [sflag:s8] =	dma.local @!p0 [hbm:s6], $0xF7A  }
0x23: {  	s9 =	sor.u32 $0xD0000000, s2;
	s6 =	simm.s32 $0x108;
	_ =	swait.ge @!p0 [sflag:s8], $0x0  }
0x24: {  	s3 =	sadd.s32 $0x88, s3;
	s6 =	simm.s32 @!p1 $0x1082;
	[sflag:s4] =	ssyncset.s32 $0xFFFFF086  }
0x25: {  	[simem:s6], [sflag:s4] =	dma.local [hbm:s3], $0xF7A  }
0x26: {  	[smem:$0x3F98] =	sst s1;
	(tag) =	ssettag s2;
	_ =	strace s9  }
0x27: {  	s1 =	sld [smem:$0x3FA8]  }
0x28: {  	s2 =	sld [smem:$0x3FA9]  }
0x29: {  	s4 =	sld [smem:$0x3FAB]  }
0x2a: {  	p0 =	seq.s32 s5, $0x0;
	s5 =	sld [smem:$0x3FAC]  }
0x2b: {  	s6 =	sld [smem:$0x3FAD]  }
0x2c: {  	s7 =	sld [smem:$0x3FAE]  }
0x2d: {  	s3 =	simm.s32 $0x108;
	s8 =	sld [smem:$0x3FAF]  }
0x2e: {  	s3 =	simm.s32 @!p0 $0x1082;
	s9 =	sld [smem:$0x3FB0]  }
0x2f: {  	lr =	sadd.s32 s0, s3;
	s0 =	sld [smem:$0x3FA7]  }
0x30: {  	s3 =	sld [smem:$0x3FAA]  }
0x31: {  	[smem:$0x3FB3] =	sst s10  }
0x32: {  	s10 =	sld [smem:$0x3FB1];
	_ =	sdelay $0x3  }
0x33: {  	p0 =	seq.s32 s10, $0x1;
	s10 =	sld [smem:$0x3FB3];
	_ =	sdelay $0x3  }
0x34: {  	[smem:$0x3FB3] =	sst s10  }
0x35: {  	s10 =	sld [smem:$0x3FB2];
	_ =	sdelay $0x3  }
0x36: {  	p1 =	seq.s32 s10, $0x1;
	s10 =	sld [smem:$0x3FB3];
	_ =	sdelay $0x3  }
0x37: {  	[smem:$0x3FB3] =	sst s10  }
0x38: {  	s10 =	sld [smem:$0x3FB4]  }
0x39: {  	_ = 	snop;
	(pc) =	sbr.ind lr, $3  }
0x3a: {  	_ = 	snop  }
0x3b: {  	_ = 	snop  }
0x3c: {  	p2 =	seq.s32 s10, $0x1;
	s10 =	sld [smem:$0x3FB3]  }
0x3d: {  	_ =	shalt  }
0x3e: {  	_ =	shalt  }
0x3f: {  	_ =	shalt  }
0x40: {  	_ =	shalt  }
0x41: {  	_ =	shalt  }
0x42: {  	_ =	shalt  }
0x43: {  	_ =	shalt  }
0x44: {  	_ =	shalt  }
0x45: {  	_ =	shalt  }
0x46: {  	_ =	shalt  }
0x47: {  	_ =	shalt  }
0x48: {  	_ =	shalt  }
0x49: {  	_ =	shalt  }
0x4a: {  	_ =	shalt  }
0x4b: {  	_ =	shalt  }
0x4c: {  	_ =	shalt  }
0x4d: {  	_ =	shalt  }
0x4e: {  	_ =	shalt  }
0x4f: {  	_ =	shalt  }
0x50: {  	_ =	shalt  }
0x51: {  	_ =	shalt  }
0x52: {  	_ =	shalt  }
0x53: {  	_ =	shalt  }
0x54: {  	_ =	shalt  }
0x55: {  	_ =	shalt  }
0x56: {  	_ =	shalt  }
0x57: {  	_ =	shalt  }
0x58: {  	_ =	shalt  }
0x59: {  	_ =	shalt  }
0x5a: {  	_ =	shalt  }
0x5b: {  	_ =	shalt  }
0x5c: {  	_ =	shalt  }
0x5d: {  	_ =	shalt  }
0x5e: {  	_ =	shalt  }
0x5f: {  	_ =	shalt  }
0x60: {  	_ =	shalt  }
0x61: {  	_ =	shalt  }
0x62: {  	_ =	shalt  }
0x63: {  	_ =	shalt  }
0x64: {  	_ =	shalt  }
0x65: {  	_ =	shalt  }
0x66: {  	_ =	shalt  }
0x67: {  	_ =	shalt  }
0x68: {  	_ =	shalt  }
0x69: {  	_ =	shalt  }
0x6a: {  	_ =	shalt  }
0x6b: {  	_ =	shalt  }
0x6c: {  	_ =	shalt  }
0x6d: {  	_ =	shalt  }
0x6e: {  	_ =	shalt  }
0x6f: {  	_ =	shalt  }
0x70: {  	_ =	shalt  }
0x71: {  	_ =	shalt  }
0x72: {  	_ =	shalt  }
0x73: {  	_ =	shalt  }
0x74: {  	_ =	shalt  }
0x75: {  	_ =	shalt  }
0x76: {  	_ =	shalt  }
0x77: {  	_ =	shalt  }
0x78: {  	_ =	shalt  }
0x79: {  	_ =	shalt  }
0x7a: {  	_ =	shalt  }
0x7b: {  	_ =	shalt  }
0x7c: {  	_ =	shalt  }
0x7d: {  	_ =	shalt  }
0x7e: {  	_ =	shalt  }
0x7f: {  	_ =	shalt  }
0x80: {  	_ =	shalt  }
0x81: {  	_ =	shalt  }
0x82: {  	_ =	shalt  }
0x83: {  	_ =	shalt  }
0x84: {  	_ =	shalt  }
0x85: {  	_ =	shalt  }
0x86: {  	_ =	shalt  }
0x87: {  	_ =	shalt  }
.Lfunc_end0:
.L_simem_size_0:
called_computation.1_lowered:
.L_overlay_start_0:
0x88: {  	s2 =	sld [smem:$0x3FD9]  }
0x89: {  	s3 =	sld [smem:$0x3FFE];
	_ =	sdelay $0x1  }
0x8a: {  	s1 =	srdreg.scid  }
0x8b: {  	s0 =	sand.u32 $0x1, s1  }
0x8c: {  	s17 =	sshll.u32 s0, $0xA;
	s2 =	sadd.s32 s3, s2  }
0x8d: {  	s2 =	sadd.s32 s2, s17  }
0x8e: {  	[smem:$0x3FBF] =	sst s2  }
0x8f: {  	_ = 	snop  }
0x90: {  	s2 =	sld [smem:$0x3FD0];
	(tm) =	ssettm $0x1  }
0x91: {  	s18 =	sld [smem:$0x3FFB];
	_ =	sdelay $0x3  }
0x92: {  	_ =	strace s18  }
0x93: {  	s3 =	sld [smem:$0x3FFC];
	_ =	sdelay $0x3  }
0x94: {  	_ =	strace s3  }
0x95: {  	s3 =	sld [smem:$0x3FFD];
	_ =	sdelay $0x3  }
0x96: {  	_ =	strace s3  }
0x97: {  	_ =	strace $0x8FFFFFFF  }
0x98: {  	s19 =	sld [smem:$0x3FDB];
	_ =	sdelay $0x1  }
0x99: {  	s4 =	simm.s32 $_scs_section_size  }
0x9a: {  	s5 =	simm.s32 $_size__tile_overlayer_lowered;
	s6 =	simm.s32 $_tile_overlayer_lowered  }
0x9b: {  	s22 =	simm.s32 $0x1BFF;
	s21 =	sshll.u32 s6, $0x1;
	s3 =	sadd.s32 s4, s19  }
0x9c: {  	s7 =	simm.s32 $0x0;
	s20 =	sshll.u32 s5, $0x1;
	s5 =	sadd.s32 s21, s3  }
0x9d: {  	[timem:s7], [sflag:s22] =	dma.local [hbm:s5], s20  }
0x9e: {  	_ =	swait.ge [sflag:s22], s20  }
0x9f: {  	s4 =	ssub.s32 $0x0, s20;
	[sflag:s22] =	ssyncset.done $0x0  }
0xa0: {  	[sflag:s22] =	ssyncadd.s32 s4;
	_ =	sdelay $0x1  }
0xa1: {  	s23 =	simm.s32 $0x1B8B  }
0xa2: {  	_ =	swait.ge [sflag:s23], $0x1  }
0xa3: {  	[sflag:s23] =	ssyncset.done $0x0  }
0xa4: {  	s25 =	simm.s32 $0x1B8E;
	s24 =	sld [smem:$0x3FFE];
	[sflag:s23] =	ssyncadd.s32 $0xFFFFFFFF  }
0xa5: {  	s26 =	simm.s32 $execute0_lowered;
	[smem:$0x3FD2] =	sst s25  }
0xa6: {  	s5 =	sshll.u32 s26, $0x1;
	_ =	strace $0x80000049;
	[dreg:$0x1] =	wrdreg $0xFFFFFFFF  }
0xa7: {  	s28 =	simm.s32 $_size_execute0_lowered;
	s3 =	sadd.s32 s3, s5;
	[dreg:$0x0] =	wrdreg $0x0  }
0xa8: {  	s5 =	sshll.u32 s28, $0x1;
	[dreg:$0x2] =	wrdreg s3  }
0xa9: {  	[dreg:$0x3] =	wrdreg s5  }
0xaa: {  	[dreg:$0x4] =	wrdreg $0xC0  }
0xab: {  	_ =	task [dreg:s7], $0x5FFFF  }
0xac: {  	[dreg:$0x1] =	wrdreg $0xFFFFFFFF  }
0xad: {  	[dreg:$0x0] =	wrdreg $0x60  }
0xae: {  	[dreg:$0x2] =	wrdreg s24  }
0xaf: {  	[dreg:$0x3] =	wrdreg s2  }
0xb0: {  	[dreg:$0x4] =	wrdreg $0xB0000  }
0xb1: {  	[dreg:$0x5] =	wrdreg $0x9  }
0xb2: {  	_ =	task.clear_ibuf [dreg:s7], $0x6FFFF;
	_ =	strace $0x90000049  }
0xb3: {  	s29 =	simm.s32 $0x9;
	_ =	strace $0x8000004B  }
0xb4: {  	_ =	swait.ge [sflag:s29], $0x1  }
0xb5: {  	[sflag:s29] =	ssyncadd.s32 $0xFFFFFFFF  }
0xb6: {  	_ =	strace $0x9000004B  }
0xb7: {  	_ =	sfence  }
0xb8: {  	s30 =	sld [smem:$0x0];
	_ =	sdelay $0x2  }
0xb9: {  	s31 =	sshll.u32 s1, $0xD;
	s1 =	sshrl.u32 s1, $0x2  }
0xba: {  	s3 =	sand.u32 $0x4000, s31;
	s1 =	sadd.s32 s1, s30  }
0xbb: {  	s0 =	sor.u32 s3, s0;
	s1 =	sshll.u32 s1, $0x11  }
0xbc: {  	s0 =	sor.u32 s1, s0  }
0xbd: {  	s0 =	sadd.s32 $0x8F2B, s0  }
0xbe: {  	[sflag:s0] =	ssyncadd.remote.s32 $0x1  }
0xbf: {  	_ =	sfence.sel $0xFFFF  }
0xc0: {  	[dreg:$0x0] =	wrdreg $0xFFFFFFFF;
	(pc) =	sbr.abs _section_cstart, $3  }
0xc1: {  	[dreg:$0x1] =	wrdreg $0xFFFFFFFF  }
0xc2: {  	_ =	task.clear_ibuf [dreg:s7], $0x2FFFF;
	_ =	strace $0x9FFFFFFF  }
0xc3: {  	(tm) =	ssettm $0x7FFFFFFF  }
tec
execute0_lowered:
.L_overlay_start_1:
0x0: {  	(tag) =	ssettag $0x1  }
0x1: {  	s6 =	rddreg [dreg:$0x0]  }
0x2: {  	s9 =	rddreg [dreg:$0x1]  }
0x3: {  	s1 =	rddreg [dreg:$0x2]  }
0x4: {  	s0 =	rddreg [dreg:$0x3]  }
0x5: {  	s3 =	simm.s32 $0x0;
	s2 =	srdreg.scid;
	s19 =	simm.s32 $0x80  }
0x6: {  	s20 =	simm.s32 $0x3000;
	s21 =	simm.s32 $0x1;
	s7 =	sand.u32 $0x1, s2  }
0x7: {  	s22 =	simm.s32 $0x7000;
	s2 =	stileid.u32;
	s8 =	smul.u32 $0x13C000, s7  }
0x8: {  	s23 =	simm.s32 $0x2;
	[smem:$0x7FF] =	sst s3;
	s10 =	smul.u32 $0x13C00, s2  }
0x9: {  	s4 =	sadd.s32 $0xE400, s6;
	s5 =	sadd.s32 $0x35C00, s6;
	s12 =	smul.u32 $0x4F000, s2  }
0xa: {  	s11 =	sadd.s32 $0x2400, s6;
	_ =	strace $0x8000004A;
	s13 =	smul.u32 $0x30000, s7  }
0xb: {  	s25 =	ssub.s32 $0x2, s7;
	s15 =	smul.u32 $0x3000, s2;
	s28 =	sshll.u32 s2, $0x6  }
0xc: {  	p0 =	seq.s32 s7, $0x0;
	s14 =	sshrl.u32 s25, $0x1;
	s8 =	sadd.s32 s10, s8  }
0xd: {  	s17 =	ssub.s32 s25, s14;
	s26 =	sshrl.u32 s12, $0x2;
	s29 =	sadd.s32 s15, s13  }
0xe: {  	s12 =	simm.s32 $0x30;
	s8 =	sshrl.u32 s8, $0x3;
	s18 =	sadd.s32 s26, s1  }
0xf: {  	s12 =	simm.s32 @!p0 $0xD;
	s15 =	smax.u32 s17, $0x1;
	s17 =	simm.s32 $0x3  }
0x10: {  	s16 =	sadd.s32 s8, s6;
	s6 =	sor.u32 $0x1C03, s28;
	s8 =	sshrl.u32 s29, $0x3  }
0x11: {  	s31 =	sshll.u32 s12, $0x7;
	s24 =	sand.u32 $0x1, s12;
	s7 =	sadd.s32 s9, s8  }
0x12: {  	s30 =	sadd.s32 $0x300, s8;
	s8 =	sadd.s32 s11, s8;
	s13 =	sadd.s32 $0x1780, s31  }
0x13: {  	s14 =	sadd.s32 $0x38400, s16;
	s16 =	sshrl.u32 s18, $0x3;
	s18 =	simm.s32 $0x1800  }
0x14: {  	p0 =	seq.s32 s24, $0x0;
	s24 =	simm.s32 $0x0;
	s9 =	sadd.s32 s9, s30  }
0x15: {  	s10 =	sadd.s32 s11, s30;
	s11 =	sshrl.u32 s12, $0x1;
	s12 =	sadd.s32 $0xFFFFFF80, s31  }
.LBB2_1:
0x16: {  	[spmem:s16], [sflag:s6] =	dma.local [hbm:s5], $0x2780  }
0x17: {  	_ =	swait.ge [sflag:s17], $0x2780  }
0x18: {  	[sflag:s17] =	ssyncset.done $0x0  }
0x19: {  	[sflag:s17] =	ssyncadd.s32 $0xFFFFD880  }
0x1a: {  	[bflag:$0x0] =	sbarrier.arrive $0xFFFF  }
0x1b: {  	[tilespmem:s3], [sflag:$0x3] =	stream.linear.gather [hbm4b:s7+s3], $0x1800, $0x38;
	[tilespmem:$0x1EC00] =	vst v63  }
0x1c: {  	_ =	swait.ge [sflag:s17], $0x1800  }
0x1d: {  	[sflag:s17] =	ssyncset.done $0x0  }
0x1e: {  	[sflag:s17] =	ssyncadd.s32 $0xFFFFE800  }
0x1f: {  	[tilespmem:s18], [sflag:$0x3] =	stream.linear.gather [hbm4b:s8+s3], $0x1800, $0x38;
	[tilespmem:$0x1EC00] =	vst v63  }
0x20: {  	_ =	swait.ge [sflag:s17], $0x1800  }
0x21: {  	[sflag:s17] =	ssyncset.done $0x0  }
0x22: {  	s25 =	simm.s32 $0x0;
	[sflag:s17] =	ssyncadd.s32 $0xFFFFE800  }
0x23: {  	[tilespmem:s20], [sflag:$0x1] =	stream.indirect.gather [hbm4b:s4+s19], $0x80, s25, s19, $0xb8;
	[tilespmem:$0x1EC00] =	vst v63  }
0x24: {  	_ =	swait.ge [sflag:s21], $0x4000  }
0x25: {  	[sflag:s21] =	ssyncset.done $0x0  }
0x26: {  	s29 =	simm.s32 $0x1800;
	[sflag:s21] =	ssyncadd.s32 $0xFFFFC000  }
0x27: {  	[spmem:s1] =	stream.indirect.scatter.add.f32 [tilespmem:s20], [sflag:$0x2], $0x80, s29, s19, $0xb8;
	[tilespmem:$0x1EC00] =	vst v63  }
0x28: {  	s30 =	simm.s32 $0x80  }
0x29: {  	[tilespmem:s22], [sflag:$0x1] =	stream.indirect.gather [hbm4b:s4+s19], $0x80, s30, s19, $0xb8;
	[tilespmem:$0x1EC00] =	vst v63  }
0x2a: {  	_ =	swait.ge [sflag:s21], $0x4000  }
0x2b: {  	[sflag:s21] =	ssyncset.done $0x0  }
0x2c: {  	s31 =	simm.s32 $0x1880;
	[sflag:s21] =	ssyncadd.s32 $0xFFFFC000  }
0x2d: {  	[spmem:s1] =	stream.indirect.scatter.add.f32 [tilespmem:s22], [sflag:$0x2], $0x80, s31, s19, $0xb8;
	[tilespmem:$0x1EC00] =	vst v63  }
0x2e: {  	_ =	swait.ge [sflag:s23], $0x4000  }
0x2f: {  	[sflag:s23] =	ssyncset.done $0x0  }
0x30: {  	[sflag:s23] =	ssyncadd.s32 $0xFFFFC000  }
0x31: {  	_ =	swait.ge [sflag:s23], $0x4000  }
0x32: {  	s26 =	simm.s32 $0x800;
	s25 =	simm.s32 $0x400;
	[sflag:s23] =	ssyncset.done $0x0  }
.LBB2_2:
0x33: {  	s28 =	sshra.s32 s25, $0x2  }
0x34: {  	[sflag:s23] =	ssyncadd.s32 $0xFFFFC000;
	s25 =	smov.u32 s26;
	s29 =	sadd.s32 $0x400, s26  }
0x35: {  	[tilespmem:s20], [sflag:$0x1] =	stream.indirect.gather [hbm4b:s4+s19], $0x80, s28, s19, $0xb8;
	[tilespmem:$0x1EC00] =	vst v63  }
0x36: {  	p1 =	sne.s32 s26, $0x5C00;
	_ =	swait.ge [sflag:s21], $0x4000  }
0x37: {  	[sflag:s21] =	ssyncset.done $0x0  }
0x38: {  	s26 =	sadd.s32 $0x1800, s28;
	[sflag:s21] =	ssyncadd.s32 $0xFFFFC000  }
0x39: {  	[spmem:s1] =	stream.indirect.scatter.add.f32 [tilespmem:s20], [sflag:$0x2], $0x80, s26, s19, $0xb8;
	[tilespmem:$0x1EC00] =	vst v63  }
0x3a: {  	s26 =	sadd.s32 $0x80, s28  }
0x3b: {  	[tilespmem:s22], [sflag:$0x1] =	stream.indirect.gather [hbm4b:s4+s19], $0x80, s26, s19, $0xb8;
	[tilespmem:$0x1EC00] =	vst v63  }
0x3c: {  	_ =	swait.ge [sflag:s21], $0x4000  }
0x3d: {  	[sflag:s21] =	ssyncset.done $0x0  }
0x3e: {  	s26 =	sadd.s32 $0x1880, s28;
	[sflag:s21] =	ssyncadd.s32 $0xFFFFC000  }
0x3f: {  	[spmem:s1] =	stream.indirect.scatter.add.f32 [tilespmem:s22], [sflag:$0x2], $0x80, s26, s19, $0xb8;
	[tilespmem:$0x1EC00] =	vst v63  }
.Ltmp0:
0x40: {  	_ =	swait.ge [sflag:s23], $0x4000;
	(pc) =	sbr.rel @p1 .LBB2_2-.Ltmp0, $4  }
0x41: {  	[sflag:s23] =	ssyncset.done $0x0  }
0x42: {  	[sflag:s23] =	ssyncadd.s32 $0xFFFFC000  }
0x43: {  	_ =	swait.ge [sflag:s23], $0x4000  }
0x44: {  	s26 =	smov.u32 s29;
	[sflag:s23] =	ssyncset.done $0x0  }
0x45: {  	s25 =	sshra.s32 s25, $0x2;
	[sflag:s23] =	ssyncadd.s32 $0xFFFFC000  }
0x46: {  	[tilespmem:s20], [sflag:$0x1] =	stream.indirect.gather [hbm4b:s4+s19], $0x80, s25, s19, $0xb8;
	[tilespmem:$0x1EC00] =	vst v63  }
0x47: {  	_ =	swait.ge [sflag:s21], $0x4000  }
0x48: {  	[sflag:s21] =	ssyncset.done $0x0  }
0x49: {  	s26 =	sadd.s32 $0x1800, s25;
	[sflag:s21] =	ssyncadd.s32 $0xFFFFC000  }
0x4a: {  	[spmem:s1] =	stream.indirect.scatter.add.f32 [tilespmem:s20], [sflag:$0x2], $0x80, s26, s19, $0xb8;
	[tilespmem:$0x1EC00] =	vst v63  }
0x4b: {  	s31 =	sadd.s32 $0x80, s25  }
0x4c: {  	[tilespmem:s22], [sflag:$0x1] =	stream.indirect.gather [hbm4b:s4+s19], $0x80, s31, s19, $0xb8;
	[tilespmem:$0x1EC00] =	vst v63  }
0x4d: {  	_ =	swait.ge [sflag:s21], $0x4000  }
0x4e: {  	[sflag:s21] =	ssyncset.done $0x0  }
0x4f: {  	s25 =	sadd.s32 $0x1880, s25;
	[sflag:s21] =	ssyncadd.s32 $0xFFFFC000  }
0x50: {  	[spmem:s1] =	stream.indirect.scatter.add.f32 [tilespmem:s22], [sflag:$0x2], $0x80, s25, s19, $0xb8;
	[tilespmem:$0x1EC00] =	vst v63  }
0x51: {  	_ =	swait.ge [sflag:s23], $0x4000  }
0x52: {  	[sflag:s23] =	ssyncset.done $0x0  }
0x53: {  	[sflag:s23] =	ssyncadd.s32 $0xFFFFC000  }
0x54: {  	_ =	swait.ge [sflag:s23], $0x4000  }
0x55: {  	[sflag:s23] =	ssyncset.done $0x0  }
0x56: {  	s25 =	simm.s32 $0x0;
	[sflag:s23] =	ssyncadd.s32 $0xFFFFC000  }
0x57: {  	[tilespmem:s25], [sflag:$0x3] =	stream.linear.gather [hbm4b:s9+s25], $0x1800, $0x38;
	[tilespmem:$0x1EC00] =	vst v63  }
0x58: {  	_ =	swait.ge [sflag:s17], $0x1800  }
0x59: {  	[sflag:s17] =	ssyncset.done $0x0  }
0x5a: {  	s26 =	simm.s32 $0x1800;
	[sflag:s17] =	ssyncadd.s32 $0xFFFFE800  }
0x5b: {  	[tilespmem:s26], [sflag:$0x3] =	stream.linear.gather [hbm4b:s10+s25], $0x1800, $0x38;
	[tilespmem:$0x1EC00] =	vst v63  }
0x5c: {  	_ =	swait.ge [sflag:s17], $0x1800  }
0x5d: {  	[sflag:s17] =	ssyncset.done $0x0  }
0x5e: {  	[sflag:s17] =	ssyncadd.s32 $0xFFFFE800  }
0x5f: {  	[tilespmem:s20], [sflag:$0x1] =	stream.indirect.gather [hbm4b:s4+s19], $0x80, s25, s19, $0xb8;
	[tilespmem:$0x1EC00] =	vst v63  }
0x60: {  	_ =	swait.ge [sflag:s21], $0x4000  }
0x61: {  	[sflag:s21] =	ssyncset.done $0x0  }
0x62: {  	[sflag:s21] =	ssyncadd.s32 $0xFFFFC000  }
0x63: {  	[spmem:s1] =	stream.indirect.scatter.add.f32 [tilespmem:s20], [sflag:$0x2], $0x80, s26, s19, $0xb8;
	[tilespmem:$0x1EC00] =	vst v63  }
0x64: {  	s28 =	simm.s32 $0x80  }
0x65: {  	[tilespmem:s22], [sflag:$0x1] =	stream.indirect.gather [hbm4b:s4+s19], $0x80, s28, s19, $0xb8;
	[tilespmem:$0x1EC00] =	vst v63  }
0x66: {  	_ =	swait.ge [sflag:s21], $0x4000  }
0x67: {  	[sflag:s21] =	ssyncset.done $0x0  }
0x68: {  	p1 =	sne.s32 s11, $0x1;
	s28 =	simm.s32 $0x1880;
	[sflag:s21] =	ssyncadd.s32 $0xFFFFC000  }
0x69: {  	[spmem:s1] =	stream.indirect.scatter.add.f32 [tilespmem:s22], [sflag:$0x2], $0x80, s28, s19, $0xb8;
	[tilespmem:$0x1EC00] =	vst v63  }
.Ltmp1:
0x6a: {  	_ =	swait.ge [sflag:s23], $0x4000;
	(pc) =	sbr.rel @!p1 .LBB2_5-.Ltmp1, $4  }
0x6b: {  	[sflag:s23] =	ssyncset.done $0x0  }
0x6c: {  	[sflag:s23] =	ssyncadd.s32 $0xFFFFC000  }
0x6d: {  	_ =	swait.ge [sflag:s23], $0x4000  }
0x6e: {  	s28 =	sadd.s32 $0xFFFFFFFF, s11;
	[sflag:s23] =	ssyncset.done $0x0  }
.LBB2_4:
0x6f: {  	[sflag:s23] =	ssyncadd.s32 $0xFFFFC000;
	s25 =	sadd.s32 $0x100, s25;
	s26 =	sadd.s32 $0x100, s26  }
0x70: {  	[tilespmem:s20], [sflag:$0x1] =	stream.indirect.gather [hbm4b:s4+s19], $0x80, s25, s19, $0xb8;
	[tilespmem:$0x1EC00] =	vst v63  }
0x71: {  	p1 =	sne.s32 s28, $0x1;
	s28 =	sadd.s32 $0xFFFFFFFF, s28;
	_ =	swait.ge [sflag:s21], $0x4000  }
0x72: {  	[sflag:s21] =	ssyncset.done $0x0  }
0x73: {  	[sflag:s21] =	ssyncadd.s32 $0xFFFFC000  }
0x74: {  	[spmem:s1] =	stream.indirect.scatter.add.f32 [tilespmem:s20], [sflag:$0x2], $0x80, s26, s19, $0xb8;
	[tilespmem:$0x1EC00] =	vst v63  }
0x75: {  	s29 =	sadd.s32 $0x80, s25  }
0x76: {  	[tilespmem:s22], [sflag:$0x1] =	stream.indirect.gather [hbm4b:s4+s19], $0x80, s29, s19, $0xb8;
	[tilespmem:$0x1EC00] =	vst v63  }
0x77: {  	_ =	swait.ge [sflag:s21], $0x4000  }
0x78: {  	[sflag:s21] =	ssyncset.done $0x0  }
0x79: {  	s29 =	sadd.s32 $0x80, s26;
	[sflag:s21] =	ssyncadd.s32 $0xFFFFC000  }
0x7a: {  	[spmem:s1] =	stream.indirect.scatter.add.f32 [tilespmem:s22], [sflag:$0x2], $0x80, s29, s19, $0xb8;
	[tilespmem:$0x1EC00] =	vst v63  }
.Ltmp2:
0x7b: {  	_ =	swait.ge [sflag:s23], $0x4000;
	(pc) =	sbr.rel @p1 .LBB2_4-.Ltmp2, $4  }
0x7c: {  	[sflag:s23] =	ssyncset.done $0x0  }
0x7d: {  	[sflag:s23] =	ssyncadd.s32 $0xFFFFC000  }
0x7e: {  	_ =	swait.ge [sflag:s23], $0x4000  }
0x7f: {  	[sflag:s23] =	ssyncset.done $0x0  }
.LBB2_5:
0x80: {  	[sflag:s23] =	ssyncadd.s32 $0xFFFFC000  }
0x81: {  	s25 =	simm.s32 @!p0 $0x80;
	s26 =	simm.s32 @!p0 $0x3000;
	s28 =	simm.s32 @!p0 $0x1  }
0x82: {  	[tilespmem:s26], [sflag:$0x1] =	stream.indirect.gather @!p0 [hbm4b:s4+s25], $0x80, s12, s25, $0xb8;
	[tilespmem:$0x1EC00] =	vst v63  }
0x83: {  	_ =	swait.ge @!p0 [sflag:s28], $0x4000  }
0x84: {  	[sflag:s28] =	ssyncset.done @!p0 $0x0  }
0x85: {  	[sflag:s28] =	ssyncadd.s32 @!p0 $0xFFFFC000  }
0x86: {  	[spmem:s1] =	stream.indirect.scatter.add.f32 @!p0 [tilespmem:s26], [sflag:$0x3], $0x80, s13, s25, $0xb8;
	[tilespmem:$0x1EC00] =	vst v63  }
0x87: {  	s25 =	simm.s32 @!p0 $0x3  }
0x88: {  	_ =	swait.ge @!p0 [sflag:s25], $0x4000  }
0x89: {  	s24 =	sadd.s32 $0x1, s24;
	[sflag:s25] =	ssyncset.done @!p0 $0x0  }
0x8a: {  	p1 =	sne.s32 s24, s15;
	[sflag:s25] =	ssyncadd.s32 @!p0 $0xFFFFC000  }
.Ltmp3:
0x8b: {  	[bflag:$0x0] =	sbarrier.arrive $0xFFFF;
	(pc) =	sbr.rel @p1 .LBB2_1-.Ltmp3, $4  }
0x8c: {  	[hbm:s14], [sflag:s6] =	dma.local [spmem:s16], $0x2780  }
0x8d: {  	_ =	swait.ge [sflag:s17], $0x2780  }
0x8e: {  	[sflag:s17] =	ssyncset.done $0x0  }
0x8f: {  	[sflag:s17] =	ssyncadd.s32 $0xFFFFD880  }
0x90: {  	_ =	sfence.sel $0x180000  }
0x91: {  	[bflag:$0x0] =	sbarrier.arrive $0xFFFF  }
0x92: {  	p0 =	sne.s32 s2, $0x0;
	_ =	strace $0x9000004A  }
0x93: {  	s0 =	sadd.s32 @!p0 $0x100000, s0;
	[bflag:$0x2] =	sbarrier.arrive $0xFFFF  }
0x94: {  	[sflag:s0] =	ssyncadd.tile.s32 @!p0 $0x1;
	_ =	shalt  }
.Lfunc_end2:
_tile_overlayer_lowered:
.L_overlay_start_2:
0x95: {  	(tag) =	ssettag $0x2  }
0x96: {  	s0 =	rddreg [dreg:$0x0];
	s2 =	stileid.u32  }
0x97: {  	s1 =	rddreg [dreg:$0x1];
	p0 =	sne.s32 s2, $0x0  }
0x98: {  	s3 =	rddreg [dreg:$0x2];
	[bflag:$0x3] =	sbarrier.arrive $0xFFFF;
	s2 =	simm.s32 @!p0 $0x1C03  }
0x99: {  	[timem:s3], [sflag:s2] =	dma.local @!p0 [hbm:s0], s1  }
0x9a: {  	s0 =	simm.s32 @!p0 $0x3  }
0x9b: {  	_ =	swait.ge @!p0 [sflag:s0], s1  }
0x9c: {  	s1 =	ssub.s32 @!p0 $0x0, s1;
	[sflag:s0] =	ssyncset.done @!p0 $0x0  }
0x9d: {  	[sflag:s0] =	ssyncadd.s32 @!p0 s1  }
0x9e: {  	[bflag:$0x3] =	sbarrier.arrive $0xFFFF  }
0x9f: {  	_ =	shalt  }

// kernel: kernel.7.cloned.1.call-start
scs
__scs_entry_jumppad:
0x0: {  	(pc) =	sbr.rel $0x88, $3  }
0x1: {  	(tag) =	ssettag $0x0;
	lr =	simm.s32 $0x1  }
0x2: {  	[smem:$0x3F98] =	sst lr;
	_ =	strace $0xD0000000  }
0x3: {  	_ = 	snop  }
0x4: {  	_ = 	snop  }
0x5: {  	_ = 	snop  }
0x6: {  	_ = 	snop  }
0x7: {  	_ = 	snop  }
__scs_overlays_trampoline_lowered:
0x8: {  	[smem:$0x3FA7] =	sst s0  }
0x9: {  	[smem:$0x3FA8] =	sst s1  }
0xa: {  	[smem:$0x3FA9] =	sst s2  }
0xb: {  	[smem:$0x3FAA] =	sst s3  }
0xc: {  	[smem:$0x3FAB] =	sst s4  }
0xd: {  	[smem:$0x3FAC] =	sst s5  }
0xe: {  	[smem:$0x3FAD] =	sst s6  }
0xf: {  	[smem:$0x3FAE] =	sst s7  }
0x10: {  	[smem:$0x3FAF] =	sst s8  }
0x11: {  	[smem:$0x3FB0] =	sst s9;
	s0 =	simm.s32 @!p0 $0x0  }
0x12: {  	s1 =	sld [smem:$0x3F96];
	s0 =	simm.s32 @p0 $0x1  }
0x13: {  	[smem:$0x3FB1] =	sst s0;
	s0 =	simm.s32 @!p1 $0x0  }
0x14: {  	s2 =	sld [smem:$0x3F95];
	s0 =	simm.s32 @p1 $0x1  }
0x15: {  	[smem:$0x3FB2] =	sst s0;
	s0 =	simm.s32 @!p2 $0x0  }
0x16: {  	s3 =	sld [smem:$0x3FDB];
	s0 =	simm.s32 @p2 $0x1  }
0x17: {  	s4 =	simm.s32 $0x1BF5;
	[smem:$0x3FB4] =	sst s0  }
0x18: {  	s0 =	sld [smem:$0x3F97];
	_ =	swait.ge [sflag:s4], $0x0  }
0x19: {  	s7 =	sld [smem:$0x3F98]  }
0x1a: {  	s8 =	sadd.s32 $0xFFFFE003, lr  }
0x1b: {  	s9 =	sadd.s32 $0xFFFFFEF7, lr;
	s5 =	simm.s32 $0xFFFFFFFF;
	p2 =	slt.u32 s8, $0xFFFFF086  }
0x1c: {  	p1 =	slt.u32 s9, $0xF7A;
	s5 =	simm.s32 @!p2 $0x0  }
0x1d: {  	s5 =	simm.s32 @p1 $0x1;
	p0 =	seq.s32 s7, s2  }
0x1e: {  	s7 =	smul.u32 @!p0 $0xF7A, s2;
	p2 =	seq.s32 @!p0 s5, $0x0  }
0x1f: {  	s9 =	smul.u32 $0xF7A, s1;
	s8 =	simm.s32 @!p0 $0x1BF5;
	p2 =	por !p2, p0  }
0x20: {  	[sflag:s8] =	ssyncset.s32 @!p0 $0xFFFFF086;
	s6 =	sadd.s32 @!p0 s3, s7;
	s7 =	simm.s32 @!p0 $0x108  }
0x21: {  	s3 =	sadd.s32 s3, s9;
	s6 =	sadd.s32 @!p0 $0x88, s6;
	s7 =	simm.s32 @p2 $0x1082  }
0x22: {  	[simem:s7], [sflag:s8] =	dma.local @!p0 [hbm:s6], $0xF7A  }
0x23: {  	s9 =	sor.u32 $0xD0000000, s2;
	s6 =	simm.s32 $0x108;
	_ =	swait.ge @!p0 [sflag:s8], $0x0  }
0x24: {  	s3 =	sadd.s32 $0x88, s3;
	s6 =	simm.s32 @!p1 $0x1082;
	[sflag:s4] =	ssyncset.s32 $0xFFFFF086  }
0x25: {  	[simem:s6], [sflag:s4] =	dma.local [hbm:s3], $0xF7A  }
0x26: {  	[smem:$0x3F98] =	sst s1;
	(tag) =	ssettag s2;
	_ =	strace s9  }
0x27: {  	s1 =	sld [smem:$0x3FA8]  }
0x28: {  	s2 =	sld [smem:$0x3FA9]  }
0x29: {  	s4 =	sld [smem:$0x3FAB]  }
0x2a: {  	p0 =	seq.s32 s5, $0x0;
	s5 =	sld [smem:$0x3FAC]  }
0x2b: {  	s6 =	sld [smem:$0x3FAD]  }
0x2c: {  	s7 =	sld [smem:$0x3FAE]  }
0x2d: {  	s3 =	simm.s32 $0x108;
	s8 =	sld [smem:$0x3FAF]  }
0x2e: {  	s3 =	simm.s32 @!p0 $0x1082;
	s9 =	sld [smem:$0x3FB0]  }
0x2f: {  	lr =	sadd.s32 s0, s3;
	s0 =	sld [smem:$0x3FA7]  }
0x30: {  	s3 =	sld [smem:$0x3FAA]  }
0x31: {  	[smem:$0x3FB3] =	sst s10  }
0x32: {  	s10 =	sld [smem:$0x3FB1];
	_ =	sdelay $0x3  }
0x33: {  	p0 =	seq.s32 s10, $0x1;
	s10 =	sld [smem:$0x3FB3];
	_ =	sdelay $0x3  }
0x34: {  	[smem:$0x3FB3] =	sst s10  }
0x35: {  	s10 =	sld [smem:$0x3FB2];
	_ =	sdelay $0x3  }
0x36: {  	p1 =	seq.s32 s10, $0x1;
	s10 =	sld [smem:$0x3FB3];
	_ =	sdelay $0x3  }
0x37: {  	[smem:$0x3FB3] =	sst s10  }
0x38: {  	s10 =	sld [smem:$0x3FB4]  }
0x39: {  	_ = 	snop;
	(pc) =	sbr.ind lr, $3  }
0x3a: {  	_ = 	snop  }
0x3b: {  	_ = 	snop  }
0x3c: {  	p2 =	seq.s32 s10, $0x1;
	s10 =	sld [smem:$0x3FB3]  }
0x3d: {  	_ =	shalt  }
0x3e: {  	_ =	shalt  }
0x3f: {  	_ =	shalt  }
0x40: {  	_ =	shalt  }
0x41: {  	_ =	shalt  }
0x42: {  	_ =	shalt  }
0x43: {  	_ =	shalt  }
0x44: {  	_ =	shalt  }
0x45: {  	_ =	shalt  }
0x46: {  	_ =	shalt  }
0x47: {  	_ =	shalt  }
0x48: {  	_ =	shalt  }
0x49: {  	_ =	shalt  }
0x4a: {  	_ =	shalt  }
0x4b: {  	_ =	shalt  }
0x4c: {  	_ =	shalt  }
0x4d: {  	_ =	shalt  }
0x4e: {  	_ =	shalt  }
0x4f: {  	_ =	shalt  }
0x50: {  	_ =	shalt  }
0x51: {  	_ =	shalt  }
0x52: {  	_ =	shalt  }
0x53: {  	_ =	shalt  }
0x54: {  	_ =	shalt  }
0x55: {  	_ =	shalt  }
0x56: {  	_ =	shalt  }
0x57: {  	_ =	shalt  }
0x58: {  	_ =	shalt  }
0x59: {  	_ =	shalt  }
0x5a: {  	_ =	shalt  }
0x5b: {  	_ =	shalt  }
0x5c: {  	_ =	shalt  }
0x5d: {  	_ =	shalt  }
0x5e: {  	_ =	shalt  }
0x5f: {  	_ =	shalt  }
0x60: {  	_ =	shalt  }
0x61: {  	_ =	shalt  }
0x62: {  	_ =	shalt  }
0x63: {  	_ =	shalt  }
0x64: {  	_ =	shalt  }
0x65: {  	_ =	shalt  }
0x66: {  	_ =	shalt  }
0x67: {  	_ =	shalt  }
0x68: {  	_ =	shalt  }
0x69: {  	_ =	shalt  }
0x6a: {  	_ =	shalt  }
0x6b: {  	_ =	shalt  }
0x6c: {  	_ =	shalt  }
0x6d: {  	_ =	shalt  }
0x6e: {  	_ =	shalt  }
0x6f: {  	_ =	shalt  }
0x70: {  	_ =	shalt  }
0x71: {  	_ =	shalt  }
0x72: {  	_ =	shalt  }
0x73: {  	_ =	shalt  }
0x74: {  	_ =	shalt  }
0x75: {  	_ =	shalt  }
0x76: {  	_ =	shalt  }
0x77: {  	_ =	shalt  }
0x78: {  	_ =	shalt  }
0x79: {  	_ =	shalt  }
0x7a: {  	_ =	shalt  }
0x7b: {  	_ =	shalt  }
0x7c: {  	_ =	shalt  }
0x7d: {  	_ =	shalt  }
0x7e: {  	_ =	shalt  }
0x7f: {  	_ =	shalt  }
0x80: {  	_ =	shalt  }
0x81: {  	_ =	shalt  }
0x82: {  	_ =	shalt  }
0x83: {  	_ =	shalt  }
0x84: {  	_ =	shalt  }
0x85: {  	_ =	shalt  }
0x86: {  	_ =	shalt  }
0x87: {  	_ =	shalt  }
.Lfunc_end0:
.L_simem_size_0:
called_computation_lowered:
.L_overlay_start_0:
0x88: {  	s2 =	sld [smem:$0x3FD9]  }
0x89: {  	s3 =	sld [smem:$0x3FFE];
	_ =	sdelay $0x1  }
0x8a: {  	s1 =	srdreg.scid  }
0x8b: {  	s0 =	sand.u32 $0x1, s1  }
0x8c: {  	s17 =	sshll.u32 s0, $0xA;
	s2 =	sadd.s32 s3, s2  }
0x8d: {  	s2 =	sadd.s32 s2, s17  }
0x8e: {  	[smem:$0x3FBF] =	sst s2  }
0x8f: {  	_ = 	snop  }
0x90: {  	s2 =	sld [smem:$0x3FD0];
	(tm) =	ssettm $0x1  }
0x91: {  	s18 =	sld [smem:$0x3FFB];
	_ =	sdelay $0x3  }
0x92: {  	_ =	strace s18  }
0x93: {  	s3 =	sld [smem:$0x3FFC];
	_ =	sdelay $0x3  }
0x94: {  	_ =	strace s3  }
0x95: {  	s3 =	sld [smem:$0x3FFD];
	_ =	sdelay $0x3  }
0x96: {  	_ =	strace s3  }
0x97: {  	_ =	strace $0x8FFFFFFF  }
0x98: {  	s19 =	sld [smem:$0x3FDB];
	_ =	sdelay $0x1  }
0x99: {  	s4 =	simm.s32 $_scs_section_size  }
0x9a: {  	s5 =	simm.s32 $_size__tile_overlayer_lowered;
	s6 =	simm.s32 $_tile_overlayer_lowered  }
0x9b: {  	s22 =	simm.s32 $0x1BFF;
	s21 =	sshll.u32 s6, $0x1;
	s3 =	sadd.s32 s4, s19  }
0x9c: {  	s7 =	simm.s32 $0x0;
	s20 =	sshll.u32 s5, $0x1;
	s5 =	sadd.s32 s21, s3  }
0x9d: {  	[timem:s7], [sflag:s22] =	dma.local [hbm:s5], s20  }
0x9e: {  	_ =	swait.ge [sflag:s22], s20  }
0x9f: {  	s4 =	ssub.s32 $0x0, s20;
	[sflag:s22] =	ssyncset.done $0x0  }
0xa0: {  	[sflag:s22] =	ssyncadd.s32 s4;
	_ =	sdelay $0x1  }
0xa1: {  	s23 =	simm.s32 $0x1B8B  }
0xa2: {  	_ =	swait.ge [sflag:s23], $0x1  }
0xa3: {  	[sflag:s23] =	ssyncset.done $0x0  }
0xa4: {  	s25 =	simm.s32 $0x1B8E;
	s24 =	sld [smem:$0x3FFE];
	[sflag:s23] =	ssyncadd.s32 $0xFFFFFFFF  }
0xa5: {  	s26 =	simm.s32 $execute0_lowered;
	[smem:$0x3FD2] =	sst s25  }
0xa6: {  	s5 =	sshll.u32 s26, $0x1;
	_ =	strace $0x80000046;
	[dreg:$0x1] =	wrdreg $0xFFFFFFFF  }
0xa7: {  	s28 =	simm.s32 $_size_execute0_lowered;
	s3 =	sadd.s32 s3, s5;
	[dreg:$0x0] =	wrdreg $0x0  }
0xa8: {  	s5 =	sshll.u32 s28, $0x1;
	[dreg:$0x2] =	wrdreg s3  }
0xa9: {  	[dreg:$0x3] =	wrdreg s5  }
0xaa: {  	[dreg:$0x4] =	wrdreg $0xC0  }
0xab: {  	_ =	task [dreg:s7], $0x5FFFF  }
0xac: {  	[dreg:$0x1] =	wrdreg $0xFFFFFFFF  }
0xad: {  	[dreg:$0x0] =	wrdreg $0x60  }
0xae: {  	[dreg:$0x2] =	wrdreg s24  }
0xaf: {  	[dreg:$0x3] =	wrdreg s2  }
0xb0: {  	[dreg:$0x4] =	wrdreg $0xB0000  }
0xb1: {  	[dreg:$0x5] =	wrdreg $0x9  }
0xb2: {  	_ =	task.clear_ibuf [dreg:s7], $0x6FFFF;
	_ =	strace $0x90000046  }
0xb3: {  	s29 =	simm.s32 $0x9;
	_ =	strace $0x80000048  }
0xb4: {  	_ =	swait.ge [sflag:s29], $0x1  }
0xb5: {  	[sflag:s29] =	ssyncadd.s32 $0xFFFFFFFF  }
0xb6: {  	_ =	strace $0x90000048  }
0xb7: {  	_ =	sfence  }
0xb8: {  	s30 =	sld [smem:$0x0];
	_ =	sdelay $0x2  }
0xb9: {  	s31 =	sshll.u32 s1, $0xD;
	s1 =	sshrl.u32 s1, $0x2  }
0xba: {  	s3 =	sand.u32 $0x4000, s31;
	s1 =	sadd.s32 s1, s30  }
0xbb: {  	s0 =	sor.u32 s3, s0;
	s1 =	sshll.u32 s1, $0x11  }
0xbc: {  	s0 =	sor.u32 s1, s0  }
0xbd: {  	s0 =	sadd.s32 $0x8F2B, s0  }
0xbe: {  	[sflag:s0] =	ssyncadd.remote.s32 $0x1  }
0xbf: {  	_ =	sfence.sel $0xFFFF  }
0xc0: {  	[dreg:$0x0] =	wrdreg $0xFFFFFFFF;
	(pc) =	sbr.abs _section_cstart, $3  }
0xc1: {  	[dreg:$0x1] =	wrdreg $0xFFFFFFFF  }
0xc2: {  	_ =	task.clear_ibuf [dreg:s7], $0x2FFFF;
	_ =	strace $0x9FFFFFFF  }
0xc3: {  	(tm) =	ssettm $0x7FFFFFFF  }
tec
execute0_lowered:
.L_overlay_start_1:
0x0: {  	(tag) =	ssettag $0x1  }
0x1: {  	s6 =	rddreg [dreg:$0x0]  }
0x2: {  	s9 =	rddreg [dreg:$0x1]  }
0x3: {  	s1 =	rddreg [dreg:$0x2]  }
0x4: {  	s0 =	rddreg [dreg:$0x3]  }
0x5: {  	s3 =	simm.s32 $0x0;
	s2 =	srdreg.scid;
	s19 =	simm.s32 $0x80  }
0x6: {  	s20 =	simm.s32 $0x3000;
	s21 =	simm.s32 $0x1;
	s7 =	sand.u32 $0x1, s2  }
0x7: {  	s22 =	simm.s32 $0x7000;
	s2 =	stileid.u32;
	s8 =	smul.u32 $0x13C000, s7  }
0x8: {  	s23 =	simm.s32 $0x2;
	[smem:$0x7FF] =	sst s3;
	s10 =	smul.u32 $0x13C00, s2  }
0x9: {  	s4 =	sadd.s32 $0xE400, s6;
	s5 =	sadd.s32 $0x35C00, s6;
	s12 =	smul.u32 $0x4F000, s2  }
0xa: {  	s11 =	sadd.s32 $0x2400, s6;
	_ =	strace $0x80000047;
	s13 =	smul.u32 $0x30000, s7  }
0xb: {  	s25 =	ssub.s32 $0x2, s7;
	s15 =	smul.u32 $0x3000, s2;
	s28 =	sshll.u32 s2, $0x6  }
0xc: {  	p0 =	seq.s32 s7, $0x0;
	s14 =	sshrl.u32 s25, $0x1;
	s8 =	sadd.s32 s10, s8  }
0xd: {  	s17 =	ssub.s32 s25, s14;
	s26 =	sshrl.u32 s12, $0x2;
	s29 =	sadd.s32 s15, s13  }
0xe: {  	s12 =	simm.s32 $0x30;
	s8 =	sshrl.u32 s8, $0x3;
	s18 =	sadd.s32 s26, s1  }
0xf: {  	s12 =	simm.s32 @!p0 $0xD;
	s15 =	smax.u32 s17, $0x1;
	s17 =	simm.s32 $0x3  }
0x10: {  	s16 =	sadd.s32 s8, s6;
	s6 =	sor.u32 $0x1C03, s28;
	s8 =	sshrl.u32 s29, $0x3  }
0x11: {  	s31 =	sshll.u32 s12, $0x7;
	s24 =	sand.u32 $0x1, s12;
	s7 =	sadd.s32 s9, s8  }
0x12: {  	s30 =	sadd.s32 $0x300, s8;
	s8 =	sadd.s32 s11, s8;
	s13 =	sadd.s32 $0x1780, s31  }
0x13: {  	s14 =	sadd.s32 $0x38400, s16;
	s16 =	sshrl.u32 s18, $0x3;
	s18 =	simm.s32 $0x1800  }
0x14: {  	p0 =	seq.s32 s24, $0x0;
	s24 =	simm.s32 $0x0;
	s9 =	sadd.s32 s9, s30  }
0x15: {  	s10 =	sadd.s32 s11, s30;
	s11 =	sshrl.u32 s12, $0x1;
	s12 =	sadd.s32 $0xFFFFFF80, s31  }
.LBB2_1:
0x16: {  	[spmem:s16], [sflag:s6] =	dma.local [hbm:s5], $0x2780  }
0x17: {  	_ =	swait.ge [sflag:s17], $0x2780  }
0x18: {  	[sflag:s17] =	ssyncset.done $0x0  }
0x19: {  	[sflag:s17] =	ssyncadd.s32 $0xFFFFD880  }
0x1a: {  	[bflag:$0x0] =	sbarrier.arrive $0xFFFF  }
0x1b: {  	[tilespmem:s3], [sflag:$0x3] =	stream.linear.gather [hbm4b:s7+s3], $0x1800, $0x38;
	[tilespmem:$0x1EC00] =	vst v63  }
0x1c: {  	_ =	swait.ge [sflag:s17], $0x1800  }
0x1d: {  	[sflag:s17] =	ssyncset.done $0x0  }
0x1e: {  	[sflag:s17] =	ssyncadd.s32 $0xFFFFE800  }
0x1f: {  	[tilespmem:s18], [sflag:$0x3] =	stream.linear.gather [hbm4b:s8+s3], $0x1800, $0x38;
	[tilespmem:$0x1EC00] =	vst v63  }
0x20: {  	_ =	swait.ge [sflag:s17], $0x1800  }
0x21: {  	[sflag:s17] =	ssyncset.done $0x0  }
0x22: {  	s25 =	simm.s32 $0x0;
	[sflag:s17] =	ssyncadd.s32 $0xFFFFE800  }
0x23: {  	[tilespmem:s20], [sflag:$0x1] =	stream.indirect.gather [hbm4b:s4+s19], $0x80, s25, s19, $0xb8;
	[tilespmem:$0x1EC00] =	vst v63  }
0x24: {  	_ =	swait.ge [sflag:s21], $0x4000  }
0x25: {  	[sflag:s21] =	ssyncset.done $0x0  }
0x26: {  	s29 =	simm.s32 $0x1800;
	[sflag:s21] =	ssyncadd.s32 $0xFFFFC000  }
0x27: {  	[spmem:s1] =	stream.indirect.scatter.add.f32 [tilespmem:s20], [sflag:$0x2], $0x80, s29, s19, $0xb8;
	[tilespmem:$0x1EC00] =	vst v63  }
0x28: {  	s30 =	simm.s32 $0x80  }
0x29: {  	[tilespmem:s22], [sflag:$0x1] =	stream.indirect.gather [hbm4b:s4+s19], $0x80, s30, s19, $0xb8;
	[tilespmem:$0x1EC00] =	vst v63  }
0x2a: {  	_ =	swait.ge [sflag:s21], $0x4000  }
0x2b: {  	[sflag:s21] =	ssyncset.done $0x0  }
0x2c: {  	s31 =	simm.s32 $0x1880;
	[sflag:s21] =	ssyncadd.s32 $0xFFFFC000  }
0x2d: {  	[spmem:s1] =	stream.indirect.scatter.add.f32 [tilespmem:s22], [sflag:$0x2], $0x80, s31, s19, $0xb8;
	[tilespmem:$0x1EC00] =	vst v63  }
0x2e: {  	_ =	swait.ge [sflag:s23], $0x4000  }
0x2f: {  	[sflag:s23] =	ssyncset.done $0x0  }
0x30: {  	[sflag:s23] =	ssyncadd.s32 $0xFFFFC000  }
0x31: {  	_ =	swait.ge [sflag:s23], $0x4000  }
0x32: {  	s26 =	simm.s32 $0x800;
	s25 =	simm.s32 $0x400;
	[sflag:s23] =	ssyncset.done $0x0  }
.LBB2_2:
0x33: {  	s28 =	sshra.s32 s25, $0x2  }
0x34: {  	[sflag:s23] =	ssyncadd.s32 $0xFFFFC000;
	s25 =	smov.u32 s26;
	s29 =	sadd.s32 $0x400, s26  }
0x35: {  	[tilespmem:s20], [sflag:$0x1] =	stream.indirect.gather [hbm4b:s4+s19], $0x80, s28, s19, $0xb8;
	[tilespmem:$0x1EC00] =	vst v63  }
0x36: {  	p1 =	sne.s32 s26, $0x5C00;
	_ =	swait.ge [sflag:s21], $0x4000  }
0x37: {  	[sflag:s21] =	ssyncset.done $0x0  }
0x38: {  	s26 =	sadd.s32 $0x1800, s28;
	[sflag:s21] =	ssyncadd.s32 $0xFFFFC000  }
0x39: {  	[spmem:s1] =	stream.indirect.scatter.add.f32 [tilespmem:s20], [sflag:$0x2], $0x80, s26, s19, $0xb8;
	[tilespmem:$0x1EC00] =	vst v63  }
0x3a: {  	s26 =	sadd.s32 $0x80, s28  }
0x3b: {  	[tilespmem:s22], [sflag:$0x1] =	stream.indirect.gather [hbm4b:s4+s19], $0x80, s26, s19, $0xb8;
	[tilespmem:$0x1EC00] =	vst v63  }
0x3c: {  	_ =	swait.ge [sflag:s21], $0x4000  }
0x3d: {  	[sflag:s21] =	ssyncset.done $0x0  }
0x3e: {  	s26 =	sadd.s32 $0x1880, s28;
	[sflag:s21] =	ssyncadd.s32 $0xFFFFC000  }
0x3f: {  	[spmem:s1] =	stream.indirect.scatter.add.f32 [tilespmem:s22], [sflag:$0x2], $0x80, s26, s19, $0xb8;
	[tilespmem:$0x1EC00] =	vst v63  }
.Ltmp0:
0x40: {  	_ =	swait.ge [sflag:s23], $0x4000;
	(pc) =	sbr.rel @p1 .LBB2_2-.Ltmp0, $4  }
0x41: {  	[sflag:s23] =	ssyncset.done $0x0  }
0x42: {  	[sflag:s23] =	ssyncadd.s32 $0xFFFFC000  }
0x43: {  	_ =	swait.ge [sflag:s23], $0x4000  }
0x44: {  	s26 =	smov.u32 s29;
	[sflag:s23] =	ssyncset.done $0x0  }
0x45: {  	s25 =	sshra.s32 s25, $0x2;
	[sflag:s23] =	ssyncadd.s32 $0xFFFFC000  }
0x46: {  	[tilespmem:s20], [sflag:$0x1] =	stream.indirect.gather [hbm4b:s4+s19], $0x80, s25, s19, $0xb8;
	[tilespmem:$0x1EC00] =	vst v63  }
0x47: {  	_ =	swait.ge [sflag:s21], $0x4000  }
0x48: {  	[sflag:s21] =	ssyncset.done $0x0  }
0x49: {  	s26 =	sadd.s32 $0x1800, s25;
	[sflag:s21] =	ssyncadd.s32 $0xFFFFC000  }
0x4a: {  	[spmem:s1] =	stream.indirect.scatter.add.f32 [tilespmem:s20], [sflag:$0x2], $0x80, s26, s19, $0xb8;
	[tilespmem:$0x1EC00] =	vst v63  }
0x4b: {  	s31 =	sadd.s32 $0x80, s25  }
0x4c: {  	[tilespmem:s22], [sflag:$0x1] =	stream.indirect.gather [hbm4b:s4+s19], $0x80, s31, s19, $0xb8;
	[tilespmem:$0x1EC00] =	vst v63  }
0x4d: {  	_ =	swait.ge [sflag:s21], $0x4000  }
0x4e: {  	[sflag:s21] =	ssyncset.done $0x0  }
0x4f: {  	s25 =	sadd.s32 $0x1880, s25;
	[sflag:s21] =	ssyncadd.s32 $0xFFFFC000  }
0x50: {  	[spmem:s1] =	stream.indirect.scatter.add.f32 [tilespmem:s22], [sflag:$0x2], $0x80, s25, s19, $0xb8;
	[tilespmem:$0x1EC00] =	vst v63  }
0x51: {  	_ =	swait.ge [sflag:s23], $0x4000  }
0x52: {  	[sflag:s23] =	ssyncset.done $0x0  }
0x53: {  	[sflag:s23] =	ssyncadd.s32 $0xFFFFC000  }
0x54: {  	_ =	swait.ge [sflag:s23], $0x4000  }
0x55: {  	[sflag:s23] =	ssyncset.done $0x0  }
0x56: {  	s25 =	simm.s32 $0x0;
	[sflag:s23] =	ssyncadd.s32 $0xFFFFC000  }
0x57: {  	[tilespmem:s25], [sflag:$0x3] =	stream.linear.gather [hbm4b:s9+s25], $0x1800, $0x38;
	[tilespmem:$0x1EC00] =	vst v63  }
0x58: {  	_ =	swait.ge [sflag:s17], $0x1800  }
0x59: {  	[sflag:s17] =	ssyncset.done $0x0  }
0x5a: {  	s26 =	simm.s32 $0x1800;
	[sflag:s17] =	ssyncadd.s32 $0xFFFFE800  }
0x5b: {  	[tilespmem:s26], [sflag:$0x3] =	stream.linear.gather [hbm4b:s10+s25], $0x1800, $0x38;
	[tilespmem:$0x1EC00] =	vst v63  }
0x5c: {  	_ =	swait.ge [sflag:s17], $0x1800  }
0x5d: {  	[sflag:s17] =	ssyncset.done $0x0  }
0x5e: {  	[sflag:s17] =	ssyncadd.s32 $0xFFFFE800  }
0x5f: {  	[tilespmem:s20], [sflag:$0x1] =	stream.indirect.gather [hbm4b:s4+s19], $0x80, s25, s19, $0xb8;
	[tilespmem:$0x1EC00] =	vst v63  }
0x60: {  	_ =	swait.ge [sflag:s21], $0x4000  }
0x61: {  	[sflag:s21] =	ssyncset.done $0x0  }
0x62: {  	[sflag:s21] =	ssyncadd.s32 $0xFFFFC000  }
0x63: {  	[spmem:s1] =	stream.indirect.scatter.add.f32 [tilespmem:s20], [sflag:$0x2], $0x80, s26, s19, $0xb8;
	[tilespmem:$0x1EC00] =	vst v63  }
0x64: {  	s28 =	simm.s32 $0x80  }
0x65: {  	[tilespmem:s22], [sflag:$0x1] =	stream.indirect.gather [hbm4b:s4+s19], $0x80, s28, s19, $0xb8;
	[tilespmem:$0x1EC00] =	vst v63  }
0x66: {  	_ =	swait.ge [sflag:s21], $0x4000  }
0x67: {  	[sflag:s21] =	ssyncset.done $0x0  }
0x68: {  	p1 =	sne.s32 s11, $0x1;
	s28 =	simm.s32 $0x1880;
	[sflag:s21] =	ssyncadd.s32 $0xFFFFC000  }
0x69: {  	[spmem:s1] =	stream.indirect.scatter.add.f32 [tilespmem:s22], [sflag:$0x2], $0x80, s28, s19, $0xb8;
	[tilespmem:$0x1EC00] =	vst v63  }
.Ltmp1:
0x6a: {  	_ =	swait.ge [sflag:s23], $0x4000;
	(pc) =	sbr.rel @!p1 .LBB2_5-.Ltmp1, $4  }
0x6b: {  	[sflag:s23] =	ssyncset.done $0x0  }
0x6c: {  	[sflag:s23] =	ssyncadd.s32 $0xFFFFC000  }
0x6d: {  	_ =	swait.ge [sflag:s23], $0x4000  }
0x6e: {  	s28 =	sadd.s32 $0xFFFFFFFF, s11;
	[sflag:s23] =	ssyncset.done $0x0  }
.LBB2_4:
0x6f: {  	[sflag:s23] =	ssyncadd.s32 $0xFFFFC000;
	s25 =	sadd.s32 $0x100, s25;
	s26 =	sadd.s32 $0x100, s26  }
0x70: {  	[tilespmem:s20], [sflag:$0x1] =	stream.indirect.gather [hbm4b:s4+s19], $0x80, s25, s19, $0xb8;
	[tilespmem:$0x1EC00] =	vst v63  }
0x71: {  	p1 =	sne.s32 s28, $0x1;
	s28 =	sadd.s32 $0xFFFFFFFF, s28;
	_ =	swait.ge [sflag:s21], $0x4000  }
0x72: {  	[sflag:s21] =	ssyncset.done $0x0  }
0x73: {  	[sflag:s21] =	ssyncadd.s32 $0xFFFFC000  }
0x74: {  	[spmem:s1] =	stream.indirect.scatter.add.f32 [tilespmem:s20], [sflag:$0x2], $0x80, s26, s19, $0xb8;
	[tilespmem:$0x1EC00] =	vst v63  }
0x75: {  	s29 =	sadd.s32 $0x80, s25  }
0x76: {  	[tilespmem:s22], [sflag:$0x1] =	stream.indirect.gather [hbm4b:s4+s19], $0x80, s29, s19, $0xb8;
	[tilespmem:$0x1EC00] =	vst v63  }
0x77: {  	_ =	swait.ge [sflag:s21], $0x4000  }
0x78: {  	[sflag:s21] =	ssyncset.done $0x0  }
0x79: {  	s29 =	sadd.s32 $0x80, s26;
	[sflag:s21] =	ssyncadd.s32 $0xFFFFC000  }
0x7a: {  	[spmem:s1] =	stream.indirect.scatter.add.f32 [tilespmem:s22], [sflag:$0x2], $0x80, s29, s19, $0xb8;
	[tilespmem:$0x1EC00] =	vst v63  }
.Ltmp2:
0x7b: {  	_ =	swait.ge [sflag:s23], $0x4000;
	(pc) =	sbr.rel @p1 .LBB2_4-.Ltmp2, $4  }
0x7c: {  	[sflag:s23] =	ssyncset.done $0x0  }
0x7d: {  	[sflag:s23] =	ssyncadd.s32 $0xFFFFC000  }
0x7e: {  	_ =	swait.ge [sflag:s23], $0x4000  }
0x7f: {  	[sflag:s23] =	ssyncset.done $0x0  }
.LBB2_5:
0x80: {  	[sflag:s23] =	ssyncadd.s32 $0xFFFFC000  }
0x81: {  	s25 =	simm.s32 @!p0 $0x80;
	s26 =	simm.s32 @!p0 $0x3000;
	s28 =	simm.s32 @!p0 $0x1  }
0x82: {  	[tilespmem:s26], [sflag:$0x1] =	stream.indirect.gather @!p0 [hbm4b:s4+s25], $0x80, s12, s25, $0xb8;
	[tilespmem:$0x1EC00] =	vst v63  }
0x83: {  	_ =	swait.ge @!p0 [sflag:s28], $0x4000  }
0x84: {  	[sflag:s28] =	ssyncset.done @!p0 $0x0  }
0x85: {  	[sflag:s28] =	ssyncadd.s32 @!p0 $0xFFFFC000  }
0x86: {  	[spmem:s1] =	stream.indirect.scatter.add.f32 @!p0 [tilespmem:s26], [sflag:$0x3], $0x80, s13, s25, $0xb8;
	[tilespmem:$0x1EC00] =	vst v63  }
0x87: {  	s25 =	simm.s32 @!p0 $0x3  }
0x88: {  	_ =	swait.ge @!p0 [sflag:s25], $0x4000  }
0x89: {  	s24 =	sadd.s32 $0x1, s24;
	[sflag:s25] =	ssyncset.done @!p0 $0x0  }
0x8a: {  	p1 =	sne.s32 s24, s15;
	[sflag:s25] =	ssyncadd.s32 @!p0 $0xFFFFC000  }
.Ltmp3:
0x8b: {  	[bflag:$0x0] =	sbarrier.arrive $0xFFFF;
	(pc) =	sbr.rel @p1 .LBB2_1-.Ltmp3, $4  }
0x8c: {  	[hbm:s14], [sflag:s6] =	dma.local [spmem:s16], $0x2780  }
0x8d: {  	_ =	swait.ge [sflag:s17], $0x2780  }
0x8e: {  	[sflag:s17] =	ssyncset.done $0x0  }
0x8f: {  	[sflag:s17] =	ssyncadd.s32 $0xFFFFD880  }
0x90: {  	_ =	sfence.sel $0x180000  }
0x91: {  	[bflag:$0x0] =	sbarrier.arrive $0xFFFF  }
0x92: {  	p0 =	sne.s32 s2, $0x0;
	_ =	strace $0x90000047  }
0x93: {  	s0 =	sadd.s32 @!p0 $0x100000, s0;
	[bflag:$0x2] =	sbarrier.arrive $0xFFFF  }
0x94: {  	[sflag:s0] =	ssyncadd.tile.s32 @!p0 $0x1;
	_ =	shalt  }
.Lfunc_end2:
_tile_overlayer_lowered:
.L_overlay_start_2:
0x95: {  	(tag) =	ssettag $0x2  }
0x96: {  	s0 =	rddreg [dreg:$0x0];
	s2 =	stileid.u32  }
0x97: {  	s1 =	rddreg [dreg:$0x1];
	p0 =	sne.s32 s2, $0x0  }
0x98: {  	s3 =	rddreg [dreg:$0x2];
	[bflag:$0x3] =	sbarrier.arrive $0xFFFF;
	s2 =	simm.s32 @!p0 $0x1C03  }
0x99: {  	[timem:s3], [sflag:s2] =	dma.local @!p0 [hbm:s0], s1  }
0x9a: {  	s0 =	simm.s32 @!p0 $0x3  }
0x9b: {  	_ =	swait.ge @!p0 [sflag:s0], s1  }
0x9c: {  	s1 =	ssub.s32 @!p0 $0x0, s1;
	[sflag:s0] =	ssyncset.done @!p0 $0x0  }
0x9d: {  	[sflag:s0] =	ssyncadd.s32 @!p0 s1  }
0x9e: {  	[bflag:$0x3] =	sbarrier.arrive $0xFFFF  }
0x9f: {  	_ =	shalt  }

</sc_bundles>
